<compile_context>
chip_gen: v7x
topology: tpu7x:2x2x1
jax: 0.10.2.dev20260603
libtpu: 0.0.44.dev20260713+nightly
codegen_flags: <defaults>
</compile_context>

<pallas_src>
import jax
import jax.numpy as jnp
from jax import lax
from jax.experimental import pallas as pl
from jax.experimental.pallas import tpu as pltpu
from jax.experimental.pallas import tpu_sc as plsc

_N = 10000
_E = 320000
_NC, _NS = 2, 16
_NW = _NC * _NS
_CHUNK = 128
_NCHUNKS = _E // _CHUNK
_A = 10240
_RPT = _A // _NS
_ROW_BLK = 400
_GRID = _N // _ROW_BLK



def _sc_agg_call(y, src, dst, d, with_counts):
    mesh = plsc.VectorSubcoreMesh(core_axis_name="c", subcore_axis_name="s")

    out_type = [jax.ShapeDtypeStruct((_NC, _A, d), jnp.float32)]
    scratch = [
        pltpu.VMEM((_CHUNK,), jnp.int32),
        pltpu.VMEM((_CHUNK,), jnp.int32),
        pltpu.VMEM((_CHUNK, d), jnp.float32),
        pltpu.VMEM_SHARED((_A, d), jnp.float32),
        pltpu.SemaphoreType.DMA,
    ]
    if with_counts:
        out_type.append(jax.ShapeDtypeStruct((_NC, _A, 16), jnp.float32))
        scratch += [
            pltpu.VMEM((_CHUNK, 16), jnp.float32),
            pltpu.VMEM_SHARED((_A, 16), jnp.float32),
        ]

    def body(y_hbm, src_hbm, dst_hbm, zero_hbm, zero16_hbm, ones_hbm,
             *out_and_scratch):
        if with_counts:
            (out_hbm, cnt_hbm, src_v, dst_v, rows_v, acc_sh, sem,
             ones_v, cnt_sh) = out_and_scratch
        else:
            out_hbm, src_v, dst_v, rows_v, acc_sh, sem = out_and_scratch

        c = lax.axis_index("c")
        s = lax.axis_index("s")
        wid = c * _NS + s

        pltpu.sync_copy(zero_hbm, acc_sh.at[pl.ds(s * _RPT, _RPT)])
        if with_counts:
            pltpu.sync_copy(zero16_hbm, cnt_sh.at[pl.ds(s * _RPT, _RPT)])
            pltpu.sync_copy(ones_hbm, ones_v)
        plsc.subcore_barrier()

        lo = wid * _NCHUNKS // _NW
        hi = (wid + 1) * _NCHUNKS // _NW

        def step(i, carry):
            off = i * _CHUNK
            pltpu.sync_copy(src_hbm.at[pl.ds(off, _CHUNK)], src_v)
            pltpu.sync_copy(dst_hbm.at[pl.ds(off, _CHUNK)], dst_v)
            pltpu.async_copy(y_hbm.at[src_v], rows_v, sem).wait()
            pltpu.sync_copy(rows_v, acc_sh.at[dst_v], add=True)
            if with_counts:
                pltpu.sync_copy(ones_v, cnt_sh.at[dst_v], add=True)
            return carry

        lax.fori_loop(lo, hi, step, 0)
        plsc.subcore_barrier()

        pltpu.sync_copy(acc_sh.at[pl.ds(s * _RPT, _RPT)],
                        out_hbm.at[c, pl.ds(s * _RPT, _RPT)])
        if with_counts:
            pltpu.sync_copy(cnt_sh.at[pl.ds(s * _RPT, _RPT)],
                            cnt_hbm.at[c, pl.ds(s * _RPT, _RPT)])

    zero = jnp.zeros((_RPT, d), jnp.float32)
    zero16 = jnp.zeros((_RPT, 16), jnp.float32)
    ones = jnp.ones((_CHUNK, 16), jnp.float32)
    fn = pl.kernel(
        body, out_type=out_type, mesh=mesh, scratch_types=scratch,
        compiler_params=pltpu.CompilerParams(use_tc_tiling_on_sc=False))
    return fn(y, src, dst, zero, zero16, ones)



def _lin2_body(h_ref, wl_ref, wr_ref, b_ref, y_ref, z_ref):
    h = h_ref[...]
    y_ref[...] = jnp.dot(h, wl_ref[...], preferred_element_type=jnp.float32)
    z_ref[...] = (jnp.dot(h, wr_ref[...], preferred_element_type=jnp.float32)
                  + b_ref[...])


def _tc_lin2(h, wl, wr, b):
    din, dout = wl.shape
    return pl.pallas_call(
        _lin2_body,
        grid=(_GRID,),
        in_specs=[
            pl.BlockSpec((_ROW_BLK, din), lambda i: (i, 0)),
            pl.BlockSpec((din, dout), lambda i: (0, 0)),
            pl.BlockSpec((din, dout), lambda i: (0, 0)),
            pl.BlockSpec((1, dout), lambda i: (0, 0)),
        ],
        out_specs=[
            pl.BlockSpec((_ROW_BLK, dout), lambda i: (i, 0)),
            pl.BlockSpec((_ROW_BLK, dout), lambda i: (i, 0)),
        ],
        out_shape=[
            jax.ShapeDtypeStruct((_N, dout), jnp.float32),
            jax.ShapeDtypeStruct((_N, dout), jnp.float32),
        ],
    )(h, wl, wr, b.reshape(1, dout))


def _combine_h(p_ref, cnt_ref, z_ref):
    cnt = cnt_ref[0, :, 0:1] + cnt_ref[1, :, 0:1]
    scale = 1.0 / jnp.maximum(cnt, 1.0)
    return (p_ref[0] + p_ref[1]) * scale + z_ref[...]


def _comb_body(p_ref, cnt_ref, z_ref, wl_ref, wr_ref, b_ref, y_ref, z2_ref):
    h = jnp.maximum(_combine_h(p_ref, cnt_ref, z_ref), 0.0)
    y_ref[...] = jnp.dot(h, wl_ref[...], preferred_element_type=jnp.float32)
    z2_ref[...] = (jnp.dot(h, wr_ref[...], preferred_element_type=jnp.float32)
                   + b_ref[...])


def _tc_combine(p, cntp, z, wl, wr, b):
    dp = p.shape[-1]
    din, dout = wl.shape
    return pl.pallas_call(
        _comb_body,
        grid=(_GRID,),
        in_specs=[
            pl.BlockSpec((2, _ROW_BLK, dp), lambda i: (0, i, 0)),
            pl.BlockSpec((2, _ROW_BLK, 16), lambda i: (0, i, 0)),
            pl.BlockSpec((_ROW_BLK, dp), lambda i: (i, 0)),
            pl.BlockSpec((din, dout), lambda i: (0, 0)),
            pl.BlockSpec((din, dout), lambda i: (0, 0)),
            pl.BlockSpec((1, dout), lambda i: (0, 0)),
        ],
        out_specs=[
            pl.BlockSpec((_ROW_BLK, dout), lambda i: (i, 0)),
            pl.BlockSpec((_ROW_BLK, dout), lambda i: (i, 0)),
        ],
        out_shape=[
            jax.ShapeDtypeStruct((_N, dout), jnp.float32),
            jax.ShapeDtypeStruct((_N, dout), jnp.float32),
        ],
    )(p, cntp, z, wl, wr, b.reshape(1, dout))


def _final_body(p_ref, cnt_ref, z_ref, o_ref):
    h = _combine_h(p_ref, cnt_ref, z_ref)
    m = jnp.max(h, axis=1, keepdims=True)
    e = jnp.exp(h - m)
    o_ref[...] = h - (jnp.log(jnp.sum(e, axis=1, keepdims=True)) + m)


def _tc_final(p, cntp, z):
    dp = p.shape[-1]
    return pl.pallas_call(
        _final_body,
        grid=(_GRID,),
        in_specs=[
            pl.BlockSpec((2, _ROW_BLK, dp), lambda i: (0, i, 0)),
            pl.BlockSpec((2, _ROW_BLK, 16), lambda i: (0, i, 0)),
            pl.BlockSpec((_ROW_BLK, dp), lambda i: (i, 0)),
        ],
        out_specs=pl.BlockSpec((_ROW_BLK, dp), lambda i: (i, 0)),
        out_shape=jax.ShapeDtypeStruct((_N, dp), jnp.float32),
    )(p, cntp, z)



def kernel(x, edge_index, Wl1, bl1, Wr1, Wl2, bl2, Wr2,
           Wl3, bl3, Wr3, Wl4, bl4, Wr4):
    src = edge_index[0]
    dst = edge_index[1]

    y1, z1 = _tc_lin2(x, Wl1, Wr1, bl1)
    p1, cp = _sc_agg_call(y1, src, dst, 128, with_counts=True)
    p1, cp = p1[:, :_N], cp[:, :_N]

    y2, z2 = _tc_combine(p1, cp, z1, Wl2, Wr2, bl2)
    p2 = _sc_agg_call(y2, src, dst, 128, with_counts=False)[0][:, :_N]

    y3, z3 = _tc_combine(p2, cp, z2, Wl3, Wr3, bl3)
    p3 = _sc_agg_call(y3, src, dst, 64, with_counts=False)[0][:, :_N]

    y4, z4 = _tc_combine(p3, cp, z3, Wl4, Wr4, bl4)
    p4 = _sc_agg_call(y4, src, dst, 64, with_counts=False)[0][:, :_N]

    return _tc_final(p4, cp, z4)

# --- scband reference (transcript-rebuilt; emitter-appended) ---
"""Pipeline reference for scband-gnnrecommendation-model-27736898798028 (READ-ONLY COPY).

The authoritative reference and input builder live on the scoring server;
editing this copy changes nothing except your own understanding.
"""

import jax, jax.numpy as jnp
import numpy as np

N = 10000
E = 320000
D_IN = 128
D_HID = 128
D_OUT = 64


def _w(key, fan_in, fan_out):
    return jax.random.normal(key, (fan_in, fan_out), dtype=jnp.float32) / jnp.sqrt(float(fan_in))


def setup_inputs(seed: int = 0) -> dict:
    key = jax.random.key(seed)
    ks = jax.random.split(key, 16)
    x = jax.random.normal(ks[0], (N, D_IN), dtype=jnp.float32)
    edge_index = jax.random.randint(ks[1], (2, E), 0, N, dtype=jnp.int32)
    inp = {"x": x, "edge_index": edge_index}
    # conv1 = GraphSAGE(128, 128, num_layers=2): SAGEConv(128->128), SAGEConv(128->128)
    inp["Wl1"] = _w(ks[2], D_IN, D_HID); inp["bl1"] = jnp.zeros((D_HID,), jnp.float32); inp["Wr1"] = _w(ks[3], D_IN, D_HID)
    inp["Wl2"] = _w(ks[4], D_HID, D_HID); inp["bl2"] = jnp.zeros((D_HID,), jnp.float32); inp["Wr2"] = _w(ks[5], D_HID, D_HID)
    # conv2 = GraphSAGE(128, 64, num_layers=2): SAGEConv(128->64), SAGEConv(64->64)
    inp["Wl3"] = _w(ks[6], D_HID, D_OUT); inp["bl3"] = jnp.zeros((D_OUT,), jnp.float32); inp["Wr3"] = _w(ks[7], D_HID, D_OUT)
    inp["Wl4"] = _w(ks[8], D_OUT, D_OUT); inp["bl4"] = jnp.zeros((D_OUT,), jnp.float32); inp["Wr4"] = _w(ks[9], D_OUT, D_OUT)
    return inp


def _sage_conv(x, src, dst, Wl, bl, Wr):
    # PyG SAGEConv, aggr='mean': out = lin_l(mean_j x_j) + lin_r(x)
    msg = jnp.take(x, src, axis=0)
    s = jax.ops.segment_sum(msg, dst, num_segments=N)
    cnt = jax.ops.segment_sum(jnp.ones((src.shape[0],), x.dtype), dst, num_segments=N)
    agg = s / jnp.clip(cnt, 1.0, None)[:, None]
    return agg @ Wl + bl + x @ Wr


def reference(x, edge_index, Wl1, bl1, Wr1, Wl2, bl2, Wr2, Wl3, bl3, Wr3, Wl4, bl4, Wr4):
    src = edge_index[0]
    dst = edge_index[1]
    # conv1 (GraphSAGE stack of 2, relu between layers)
    h = _sage_conv(x, src, dst, Wl1, bl1, Wr1)
    h = jax.nn.relu(h)
    h = _sage_conv(h, src, dst, Wl2, bl2, Wr2)
    # outer .relu() after conv1
    h = jax.nn.relu(h)
    # conv2 (GraphSAGE stack of 2, relu between layers)
    h = _sage_conv(h, src, dst, Wl3, bl3, Wr3)
    h = jax.nn.relu(h)
    h = _sage_conv(h, src, dst, Wl4, bl4, Wr4)
    return jax.nn.log_softmax(h, axis=1)

if __name__ == "__main__":
    import jax
    _d = setup_inputs()
    print(jax.jit(kernel)(*tuple(_d.values())))

</pallas_src>

<mosaic_0001>
#map = affine_map<(d0, d1) -> (0, 0)>
#map1 = affine_map<(d0, d1) -> (0)>
#map2 = affine_map<(d0, d1) -> (0, 0, 0)>
module attributes {stable_mosaic.version = 14 : i64} {
  func.func @body(%arg0: i32, %arg1: i32, %arg2: memref<10000x64xf32, #tpu.memory_space<hbm>>, %arg3: memref<320000xi32, #tpu.memory_space<hbm>>, %arg4: memref<320000xi32, #tpu.memory_space<hbm>>, %arg5: memref<640x64xf32, #tpu.memory_space<hbm>>, %arg6: memref<640x16xf32, #tpu.memory_space<hbm>>, %arg7: memref<128x16xf32, #tpu.memory_space<hbm>>, %arg8: memref<2x10240x64xf32, #tpu.memory_space<hbm>>, %arg9: memref<128xi32, #tpu.memory_space<vmem>>, %arg10: memref<128xi32, #tpu.memory_space<vmem>>, %arg11: memref<128x64xf32, #tpu.memory_space<vmem>>, %arg12: memref<10240x64xf32, #tpu.memory_space<vmem_shared>>, %arg13: memref<!tpu.dma_semaphore, #tpu.memory_space<semaphore_mem>>) attributes {dimension_semantics = [#tpu.dimension_semantics<core_parallel>, #tpu.dimension_semantics<subcore_parallel>], iteration_bounds = array<i64: 2, 16>, scalar_prefetch = 0 : i64, scratch_operands = 5 : i64, tpu.core_type = #tpu.core_type<sc_vector_subcore>, window_params = [{transform_indices = #map}, {transform_indices = #map1}, {transform_indices = #map1}, {transform_indices = #map}, {transform_indices = #map}, {transform_indices = #map}, {transform_indices = #map2}]} {
    %mul3A = arith.constant 16 : i32
    %mul3A_0 = arith.muli %arg0, %mul3A : i32
    %add3A = arith.addi %mul3A_0, %arg1 : i32
    %mul3A_1 = arith.constant 640 : i32
    %mul3A_2 = arith.muli %arg1, %mul3A_1 : i32
    "tpu.region"() ({
      %run_scoped3A = tpu.sem_alloc : memref<!tpu.dma_semaphore, #tpu.memory_space<semaphore_mem>>
      %dma_start3A = arith.constant 0 : i32
      %dma_start3A_62 = tpu.memref_slice %arg12[%mul3A_2, %dma_start3A] : memref<10240x64xf32, #tpu.memory_space<vmem_shared>> -> memref<640x64xf32, #tpu.memory_space<vmem_shared>>
      tpu.enqueue_dma source(%arg5 : memref<640x64xf32, #tpu.memory_space<hbm>>) target(%dma_start3A_62 : memref<640x64xf32, #tpu.memory_space<vmem_shared>>) target_semaphore(%run_scoped3A : memref<!tpu.dma_semaphore, #tpu.memory_space<semaphore_mem>>)
      %dma_wait3A = arith.constant 0 : i32
      %dma_wait3A_63 = tpu.memref_slice %arg12[%mul3A_2, %dma_wait3A] : memref<10240x64xf32, #tpu.memory_space<vmem_shared>> -> memref<640x64xf32, #tpu.memory_space<vmem_shared>>
      tpu.wait_dma2 semaphore(%run_scoped3A : memref<!tpu.dma_semaphore, #tpu.memory_space<semaphore_mem>>) src(%arg5 : memref<640x64xf32, #tpu.memory_space<hbm>>) dst(%dma_wait3A_63 : memref<640x64xf32, #tpu.memory_space<vmem_shared>>)
      tpu.yield
    }) : () -> ()
    %barrier3A = arith.constant 0 : index
    tpu.barrier barrier_id(%barrier3A)
    %mul3A_3 = arith.constant 2500 : i32
    %mul3A_4 = arith.muli %add3A, %mul3A_3 : i32
    %jit3A = arith.constant 32 : i32
    %div3A = arith.divsi %mul3A_4, %jit3A : i32
    %sign3A = arith.constant 0 : i32
    %sign3A_5 = arith.cmpi sgt, %mul3A_4, %sign3A : i32
    %sign3A_6 = arith.extui %sign3A_5 : i1 to i32
    %sign3A_7 = arith.constant 0 : i32
    %sign3A_8 = arith.cmpi slt, %mul3A_4, %sign3A_7 : i32
    %sign3A_9 = arith.extui %sign3A_8 : i1 to i32
    %sign3A_10 = arith.subi %sign3A_6, %sign3A_9 : i32
    %sign3A_11 = arith.constant 0 : i32
    %sign3A_12 = arith.cmpi sgt, %jit3A, %sign3A_11 : i32
    %sign3A_13 = arith.extui %sign3A_12 : i1 to i32
    %sign3A_14 = arith.constant 0 : i32
    %sign3A_15 = arith.cmpi slt, %jit3A, %sign3A_14 : i32
    %sign3A_16 = arith.extui %sign3A_15 : i1 to i32
    %sign3A_17 = arith.subi %sign3A_13, %sign3A_16 : i32
    %ne3A = arith.cmpi ne, %sign3A_10, %sign3A_17 : i32
    %rem3A = arith.remsi %mul3A_4, %jit3A : i32
    %ne3A_18 = arith.constant 0 : i32
    %ne3A_19 = arith.cmpi ne, %rem3A, %ne3A_18 : i32
    %and3A = arith.andi %ne3A, %ne3A_19 : i1
    %sub3A = arith.constant 1 : i32
    %sub3A_20 = arith.subi %div3A, %sub3A : i32
    %select_n3A = arith.select %and3A, %sub3A_20, %div3A : i32
    %add3A_21 = arith.constant 1 : i32
    %add3A_22 = arith.addi %add3A, %add3A_21 : i32
    %mul3A_23 = arith.constant 2500 : i32
    %mul3A_24 = arith.muli %add3A_22, %mul3A_23 : i32
    %jit3A_25 = arith.constant 32 : i32
    %div3A_26 = arith.divsi %mul3A_24, %jit3A_25 : i32
    %sign3A_27 = arith.constant 0 : i32
    %sign3A_28 = arith.cmpi sgt, %mul3A_24, %sign3A_27 : i32
    %sign3A_29 = arith.extui %sign3A_28 : i1 to i32
    %sign3A_30 = arith.constant 0 : i32
    %sign3A_31 = arith.cmpi slt, %mul3A_24, %sign3A_30 : i32
    %sign3A_32 = arith.extui %sign3A_31 : i1 to i32
    %sign3A_33 = arith.subi %sign3A_29, %sign3A_32 : i32
    %sign3A_34 = arith.constant 0 : i32
    %sign3A_35 = arith.cmpi sgt, %jit3A_25, %sign3A_34 : i32
    %sign3A_36 = arith.extui %sign3A_35 : i1 to i32
    %sign3A_37 = arith.constant 0 : i32
    %sign3A_38 = arith.cmpi slt, %jit3A_25, %sign3A_37 : i32
    %sign3A_39 = arith.extui %sign3A_38 : i1 to i32
    %sign3A_40 = arith.subi %sign3A_36, %sign3A_39 : i32
    %ne3A_41 = arith.cmpi ne, %sign3A_33, %sign3A_40 : i32
    %rem3A_42 = arith.remsi %mul3A_24, %jit3A_25 : i32
    %ne3A_43 = arith.constant 0 : i32
    %ne3A_44 = arith.cmpi ne, %rem3A_42, %ne3A_43 : i32
    %and3A_45 = arith.andi %ne3A_41, %ne3A_44 : i1
    %sub3A_46 = arith.constant 1 : i32
    %sub3A_47 = arith.subi %div3A_26, %sub3A_46 : i32
    %select_n3A_48 = arith.select %and3A_45, %sub3A_47, %div3A_26 : i32
    %while3A = arith.constant 0 : i32
    %while3A_49 = arith.subi %select_n3A_48, %select_n3A : i32
    %while3A_50 = arith.addi %select_n3A, %while3A_49 : i32
    %while3A_51 = arith.constant 1 : i32
    %while3A_52 = arith.divsi %while3A_49, %while3A_51 : i32
    %while3A_53 = arith.muli %while3A_52, %while3A_51 : i32
    %while3A_54 = arith.addi %select_n3A, %while3A_53 : i32
    %while3A_55 = arith.constant 1 : i32
    scf.for %while3A_62 = %select_n3A to %while3A_54 step %while3A_55  : i32 {
      %mul3A_63 = arith.constant 128 : i32
      %mul3A_64 = arith.muli %while3A_62, %mul3A_63 : i32
      "tpu.region"() ({
        %run_scoped3A = tpu.sem_alloc : memref<!tpu.dma_semaphore, #tpu.memory_space<semaphore_mem>>
        %dma_start3A_69 = tpu.memref_slice %arg3[%mul3A_64] : memref<320000xi32, #tpu.memory_space<hbm>> -> memref<128xi32, #tpu.memory_space<hbm>>
        %dma_start3A_70 = tpu.memref_slice %arg3[%mul3A_64] : memref<320000xi32, #tpu.memory_space<hbm>> -> memref<128xi32, #tpu.memory_space<hbm>>
        tpu.enqueue_dma source(%dma_start3A_70 : memref<128xi32, #tpu.memory_space<hbm>>) target(%arg9 : memref<128xi32, #tpu.memory_space<vmem>>) target_semaphore(%run_scoped3A : memref<!tpu.dma_semaphore, #tpu.memory_space<semaphore_mem>>)
        %dma_wait3A_71 = tpu.memref_slice %arg3[%mul3A_64] : memref<320000xi32, #tpu.memory_space<hbm>> -> memref<128xi32, #tpu.memory_space<hbm>>
        %dma_wait3A_72 = tpu.memref_slice %arg3[%mul3A_64] : memref<320000xi32, #tpu.memory_space<hbm>> -> memref<128xi32, #tpu.memory_space<hbm>>
        tpu.wait_dma2 semaphore(%run_scoped3A : memref<!tpu.dma_semaphore, #tpu.memory_space<semaphore_mem>>) src(%dma_wait3A_72 : memref<128xi32, #tpu.memory_space<hbm>>) dst(%arg9 : memref<128xi32, #tpu.memory_space<vmem>>)
        tpu.yield
      }) : () -> ()
      "tpu.region"() ({
        %run_scoped3A = tpu.sem_alloc : memref<!tpu.dma_semaphore, #tpu.memory_space<semaphore_mem>>
        %dma_start3A_69 = tpu.memref_slice %arg4[%mul3A_64] : memref<320000xi32, #tpu.memory_space<hbm>> -> memref<128xi32, #tpu.memory_space<hbm>>
        %dma_start3A_70 = tpu.memref_slice %arg4[%mul3A_64] : memref<320000xi32, #tpu.memory_space<hbm>> -> memref<128xi32, #tpu.memory_space<hbm>>
        tpu.enqueue_dma source(%dma_start3A_70 : memref<128xi32, #tpu.memory_space<hbm>>) target(%arg10 : memref<128xi32, #tpu.memory_space<vmem>>) target_semaphore(%run_scoped3A : memref<!tpu.dma_semaphore, #tpu.memory_space<semaphore_mem>>)
        %dma_wait3A_71 = tpu.memref_slice %arg4[%mul3A_64] : memref<320000xi32, #tpu.memory_space<hbm>> -> memref<128xi32, #tpu.memory_space<hbm>>
        %dma_wait3A_72 = tpu.memref_slice %arg4[%mul3A_64] : memref<320000xi32, #tpu.memory_space<hbm>> -> memref<128xi32, #tpu.memory_space<hbm>>
        tpu.wait_dma2 semaphore(%run_scoped3A : memref<!tpu.dma_semaphore, #tpu.memory_space<semaphore_mem>>) src(%dma_wait3A_72 : memref<128xi32, #tpu.memory_space<hbm>>) dst(%arg10 : memref<128xi32, #tpu.memory_space<vmem>>)
        tpu.yield
      }) : () -> ()
      %dma_start3A = arith.constant 0 : i32
      %dma_start3A_65 = arith.constant 0 : i32
      %dma_start3A_66 = tpu.memref_slice %arg2[%dma_start3A, %dma_start3A_65] : memref<10000x64xf32, #tpu.memory_space<hbm>> -> memref<10000x64xf32, #tpu.memory_space<hbm>>
      tpu.enqueue_indirect_dma source(%dma_start3A_66 : memref<10000x64xf32, #tpu.memory_space<hbm>>) target(%arg11 : memref<128x64xf32, #tpu.memory_space<vmem>>) offsets(%arg9 : memref<128xi32, #tpu.memory_space<vmem>>) semaphore(%arg13 : memref<!tpu.dma_semaphore, #tpu.memory_space<semaphore_mem>>)
      %dma_wait3A = arith.constant 0 : i32
      %dma_wait3A_67 = arith.constant 0 : i32
      %dma_wait3A_68 = tpu.memref_slice %arg2[%dma_wait3A, %dma_wait3A_67] : memref<10000x64xf32, #tpu.memory_space<hbm>> -> memref<10000x64xf32, #tpu.memory_space<hbm>>
      tpu.wait_indirect_dma semaphore(%arg13 : memref<!tpu.dma_semaphore, #tpu.memory_space<semaphore_mem>>) src(%dma_wait3A_68 : memref<10000x64xf32, #tpu.memory_space<hbm>>) dst(%arg11 : memref<128x64xf32, #tpu.memory_space<vmem>>)
      "tpu.region"() ({
        %run_scoped3A = tpu.sem_alloc : memref<!tpu.dma_semaphore, #tpu.memory_space<semaphore_mem>>
        %dma_start3A_69 = arith.constant 0 : i32
        %dma_start3A_70 = arith.constant 0 : i32
        %dma_start3A_71 = tpu.memref_slice %arg12[%dma_start3A_69, %dma_start3A_70] : memref<10240x64xf32, #tpu.memory_space<vmem_shared>> -> memref<10240x64xf32, #tpu.memory_space<vmem_shared>>
        tpu.enqueue_indirect_dma source(%arg11 : memref<128x64xf32, #tpu.memory_space<vmem>>) target(%dma_start3A_71 : memref<10240x64xf32, #tpu.memory_space<vmem_shared>>) offsets(%arg10 : memref<128xi32, #tpu.memory_space<vmem>>) semaphore(%run_scoped3A : memref<!tpu.dma_semaphore, #tpu.memory_space<semaphore_mem>>) {add = true}
        %dma_wait3A_72 = arith.constant 0 : i32
        %dma_wait3A_73 = arith.constant 0 : i32
        %dma_wait3A_74 = tpu.memref_slice %arg12[%dma_wait3A_72, %dma_wait3A_73] : memref<10240x64xf32, #tpu.memory_space<vmem_shared>> -> memref<10240x64xf32, #tpu.memory_space<vmem_shared>>
        tpu.wait_indirect_dma semaphore(%run_scoped3A : memref<!tpu.dma_semaphore, #tpu.memory_space<semaphore_mem>>) src(%arg11 : memref<128x64xf32, #tpu.memory_space<vmem>>) dst(%dma_wait3A_74 : memref<10240x64xf32, #tpu.memory_space<vmem_shared>>)
        tpu.yield
      }) : () -> ()
    }
    %while3A_56 = arith.constant 1 : i32
    scf.for %while3A_62 = %while3A_54 to %while3A_50 step %while3A_56  : i32 {
      %mul3A_63 = arith.constant 128 : i32
      %mul3A_64 = arith.muli %while3A_62, %mul3A_63 : i32
      "tpu.region"() ({
        %run_scoped3A = tpu.sem_alloc : memref<!tpu.dma_semaphore, #tpu.memory_space<semaphore_mem>>
        %dma_start3A_69 = tpu.memref_slice %arg3[%mul3A_64] : memref<320000xi32, #tpu.memory_space<hbm>> -> memref<128xi32, #tpu.memory_space<hbm>>
        %dma_start3A_70 = tpu.memref_slice %arg3[%mul3A_64] : memref<320000xi32, #tpu.memory_space<hbm>> -> memref<128xi32, #tpu.memory_space<hbm>>
        tpu.enqueue_dma source(%dma_start3A_70 : memref<128xi32, #tpu.memory_space<hbm>>) target(%arg9 : memref<128xi32, #tpu.memory_space<vmem>>) target_semaphore(%run_scoped3A : memref<!tpu.dma_semaphore, #tpu.memory_space<semaphore_mem>>)
        %dma_wait3A_71 = tpu.memref_slice %arg3[%mul3A_64] : memref<320000xi32, #tpu.memory_space<hbm>> -> memref<128xi32, #tpu.memory_space<hbm>>
        %dma_wait3A_72 = tpu.memref_slice %arg3[%mul3A_64] : memref<320000xi32, #tpu.memory_space<hbm>> -> memref<128xi32, #tpu.memory_space<hbm>>
        tpu.wait_dma2 semaphore(%run_scoped3A : memref<!tpu.dma_semaphore, #tpu.memory_space<semaphore_mem>>) src(%dma_wait3A_72 : memref<128xi32, #tpu.memory_space<hbm>>) dst(%arg9 : memref<128xi32, #tpu.memory_space<vmem>>)
        tpu.yield
      }) : () -> ()
      "tpu.region"() ({
        %run_scoped3A = tpu.sem_alloc : memref<!tpu.dma_semaphore, #tpu.memory_space<semaphore_mem>>
        %dma_start3A_69 = tpu.memref_slice %arg4[%mul3A_64] : memref<320000xi32, #tpu.memory_space<hbm>> -> memref<128xi32, #tpu.memory_space<hbm>>
        %dma_start3A_70 = tpu.memref_slice %arg4[%mul3A_64] : memref<320000xi32, #tpu.memory_space<hbm>> -> memref<128xi32, #tpu.memory_space<hbm>>
        tpu.enqueue_dma source(%dma_start3A_70 : memref<128xi32, #tpu.memory_space<hbm>>) target(%arg10 : memref<128xi32, #tpu.memory_space<vmem>>) target_semaphore(%run_scoped3A : memref<!tpu.dma_semaphore, #tpu.memory_space<semaphore_mem>>)
        %dma_wait3A_71 = tpu.memref_slice %arg4[%mul3A_64] : memref<320000xi32, #tpu.memory_space<hbm>> -> memref<128xi32, #tpu.memory_space<hbm>>
        %dma_wait3A_72 = tpu.memref_slice %arg4[%mul3A_64] : memref<320000xi32, #tpu.memory_space<hbm>> -> memref<128xi32, #tpu.memory_space<hbm>>
        tpu.wait_dma2 semaphore(%run_scoped3A : memref<!tpu.dma_semaphore, #tpu.memory_space<semaphore_mem>>) src(%dma_wait3A_72 : memref<128xi32, #tpu.memory_space<hbm>>) dst(%arg10 : memref<128xi32, #tpu.memory_space<vmem>>)
        tpu.yield
      }) : () -> ()
      %dma_start3A = arith.constant 0 : i32
      %dma_start3A_65 = arith.constant 0 : i32
      %dma_start3A_66 = tpu.memref_slice %arg2[%dma_start3A, %dma_start3A_65] : memref<10000x64xf32, #tpu.memory_space<hbm>> -> memref<10000x64xf32, #tpu.memory_space<hbm>>
      tpu.enqueue_indirect_dma source(%dma_start3A_66 : memref<10000x64xf32, #tpu.memory_space<hbm>>) target(%arg11 : memref<128x64xf32, #tpu.memory_space<vmem>>) offsets(%arg9 : memref<128xi32, #tpu.memory_space<vmem>>) semaphore(%arg13 : memref<!tpu.dma_semaphore, #tpu.memory_space<semaphore_mem>>)
      %dma_wait3A = arith.constant 0 : i32
      %dma_wait3A_67 = arith.constant 0 : i32
      %dma_wait3A_68 = tpu.memref_slice %arg2[%dma_wait3A, %dma_wait3A_67] : memref<10000x64xf32, #tpu.memory_space<hbm>> -> memref<10000x64xf32, #tpu.memory_space<hbm>>
      tpu.wait_indirect_dma semaphore(%arg13 : memref<!tpu.dma_semaphore, #tpu.memory_space<semaphore_mem>>) src(%dma_wait3A_68 : memref<10000x64xf32, #tpu.memory_space<hbm>>) dst(%arg11 : memref<128x64xf32, #tpu.memory_space<vmem>>)
      "tpu.region"() ({
        %run_scoped3A = tpu.sem_alloc : memref<!tpu.dma_semaphore, #tpu.memory_space<semaphore_mem>>
        %dma_start3A_69 = arith.constant 0 : i32
        %dma_start3A_70 = arith.constant 0 : i32
        %dma_start3A_71 = tpu.memref_slice %arg12[%dma_start3A_69, %dma_start3A_70] : memref<10240x64xf32, #tpu.memory_space<vmem_shared>> -> memref<10240x64xf32, #tpu.memory_space<vmem_shared>>
        tpu.enqueue_indirect_dma source(%arg11 : memref<128x64xf32, #tpu.memory_space<vmem>>) target(%dma_start3A_71 : memref<10240x64xf32, #tpu.memory_space<vmem_shared>>) offsets(%arg10 : memref<128xi32, #tpu.memory_space<vmem>>) semaphore(%run_scoped3A : memref<!tpu.dma_semaphore, #tpu.memory_space<semaphore_mem>>) {add = true}
        %dma_wait3A_72 = arith.constant 0 : i32
        %dma_wait3A_73 = arith.constant 0 : i32
        %dma_wait3A_74 = tpu.memref_slice %arg12[%dma_wait3A_72, %dma_wait3A_73] : memref<10240x64xf32, #tpu.memory_space<vmem_shared>> -> memref<10240x64xf32, #tpu.memory_space<vmem_shared>>
        tpu.wait_indirect_dma semaphore(%run_scoped3A : memref<!tpu.dma_semaphore, #tpu.memory_space<semaphore_mem>>) src(%arg11 : memref<128x64xf32, #tpu.memory_space<vmem>>) dst(%dma_wait3A_74 : memref<10240x64xf32, #tpu.memory_space<vmem_shared>>)
        tpu.yield
      }) : () -> ()
    }
    %barrier3A_57 = arith.constant 0 : index
    tpu.barrier barrier_id(%barrier3A_57)
    %mul3A_58 = arith.constant 640 : i32
    %mul3A_59 = arith.muli %arg1, %mul3A_58 : i32
    %mul3A_60 = arith.constant 640 : i32
    %mul3A_61 = arith.muli %arg1, %mul3A_60 : i32
    "tpu.region"() ({
      %run_scoped3A = tpu.sem_alloc : memref<!tpu.dma_semaphore, #tpu.memory_space<semaphore_mem>>
      %dma_start3A = arith.constant 0 : i32
      %dma_start3A_62 = tpu.memref_slice %arg8[%arg0, %mul3A_61, %dma_start3A] : memref<2x10240x64xf32, #tpu.memory_space<hbm>> -> memref<1x640x64xf32, #tpu.memory_space<hbm>>
      %dma_start3A_63 = tpu.memref_squeeze %dma_start3A_62 : memref<1x640x64xf32, #tpu.memory_space<hbm>> -> memref<640x64xf32, #tpu.memory_space<hbm>>
      %dma_start3A_64 = arith.constant 0 : i32
      %dma_start3A_65 = tpu.memref_slice %arg12[%mul3A_59, %dma_start3A_64] : memref<10240x64xf32, #tpu.memory_space<vmem_shared>> -> memref<640x64xf32, #tpu.memory_space<vmem_shared>>
      tpu.enqueue_dma source(%dma_start3A_65 : memref<640x64xf32, #tpu.memory_space<vmem_shared>>) target(%dma_start3A_63 : memref<640x64xf32, #tpu.memory_space<hbm>>) target_semaphore(%run_scoped3A : memref<!tpu.dma_semaphore, #tpu.memory_space<semaphore_mem>>)
      %dma_wait3A = arith.constant 0 : i32
      %dma_wait3A_66 = tpu.memref_slice %arg8[%arg0, %mul3A_61, %dma_wait3A] : memref<2x10240x64xf32, #tpu.memory_space<hbm>> -> memref<1x640x64xf32, #tpu.memory_space<hbm>>
      %dma_wait3A_67 = tpu.memref_squeeze %dma_wait3A_66 : memref<1x640x64xf32, #tpu.memory_space<hbm>> -> memref<640x64xf32, #tpu.memory_space<hbm>>
      %dma_wait3A_68 = arith.constant 0 : i32
      %dma_wait3A_69 = tpu.memref_slice %arg12[%mul3A_59, %dma_wait3A_68] : memref<10240x64xf32, #tpu.memory_space<vmem_shared>> -> memref<640x64xf32, #tpu.memory_space<vmem_shared>>
      tpu.wait_dma2 semaphore(%run_scoped3A : memref<!tpu.dma_semaphore, #tpu.memory_space<semaphore_mem>>) src(%dma_wait3A_69 : memref<640x64xf32, #tpu.memory_space<vmem_shared>>) dst(%dma_wait3A_67 : memref<640x64xf32, #tpu.memory_space<hbm>>)
      tpu.yield
    }) : () -> ()
    return
  }
}

#map = affine_map<(d0, d1) -> (0, 0)>
#map1 = affine_map<(d0, d1) -> (0)>
#map2 = affine_map<(d0, d1) -> (0, 0, 0)>
module attributes {stable_mosaic.version = 14 : i64} {
  func.func @body(%arg0: i32, %arg1: i32, %arg2: memref<10000x64xf32, #tpu.memory_space<hbm>>, %arg3: memref<320000xi32, #tpu.memory_space<hbm>>, %arg4: memref<320000xi32, #tpu.memory_space<hbm>>, %arg5: memref<640x64xf32, #tpu.memory_space<hbm>>, %arg6: memref<640x16xf32, #tpu.memory_space<hbm>>, %arg7: memref<128x16xf32, #tpu.memory_space<hbm>>, %arg8: memref<2x10240x64xf32, #tpu.memory_space<hbm>>, %arg9: memref<128xi32, #tpu.memory_space<vmem>>, %arg10: memref<128xi32, #tpu.memory_space<vmem>>, %arg11: memref<128x64xf32, #tpu.memory_space<vmem>>, %arg12: memref<10240x64xf32, #tpu.memory_space<vmem_shared>>, %arg13: memref<!tpu.dma_semaphore, #tpu.memory_space<semaphore_mem>>) attributes {dimension_semantics = [#tpu.dimension_semantics<core_parallel>, #tpu.dimension_semantics<subcore_parallel>], iteration_bounds = array<i64: 2, 16>, scalar_prefetch = 0 : i64, scratch_operands = 5 : i64, tpu.core_type = #tpu.core_type<sc_vector_subcore>, window_params = [{transform_indices = #map}, {transform_indices = #map1}, {transform_indices = #map1}, {transform_indices = #map}, {transform_indices = #map}, {transform_indices = #map}, {transform_indices = #map2}]} {
    %mul3A = arith.constant 16 : i32
    %mul3A_0 = arith.muli %arg0, %mul3A : i32
    %add3A = arith.addi %mul3A_0, %arg1 : i32
    %mul3A_1 = arith.constant 640 : i32
    %mul3A_2 = arith.muli %arg1, %mul3A_1 : i32
    "tpu.region"() ({
      %run_scoped3A = tpu.sem_alloc : memref<!tpu.dma_semaphore, #tpu.memory_space<semaphore_mem>>
      %dma_start3A = arith.constant 0 : i32
      %dma_start3A_62 = tpu.memref_slice %arg12[%mul3A_2, %dma_start3A] : memref<10240x64xf32, #tpu.memory_space<vmem_shared>> -> memref<640x64xf32, #tpu.memory_space<vmem_shared>>
      tpu.enqueue_dma source(%arg5 : memref<640x64xf32, #tpu.memory_space<hbm>>) target(%dma_start3A_62 : memref<640x64xf32, #tpu.memory_space<vmem_shared>>) target_semaphore(%run_scoped3A : memref<!tpu.dma_semaphore, #tpu.memory_space<semaphore_mem>>)
      %dma_wait3A = arith.constant 0 : i32
      %dma_wait3A_63 = tpu.memref_slice %arg12[%mul3A_2, %dma_wait3A] : memref<10240x64xf32, #tpu.memory_space<vmem_shared>> -> memref<640x64xf32, #tpu.memory_space<vmem_shared>>
      tpu.wait_dma2 semaphore(%run_scoped3A : memref<!tpu.dma_semaphore, #tpu.memory_space<semaphore_mem>>) src(%arg5 : memref<640x64xf32, #tpu.memory_space<hbm>>) dst(%dma_wait3A_63 : memref<640x64xf32, #tpu.memory_space<vmem_shared>>)
      tpu.yield
    }) : () -> ()
    %barrier3A = arith.constant 0 : index
    tpu.barrier barrier_id(%barrier3A)
    %mul3A_3 = arith.constant 2500 : i32
    %mul3A_4 = arith.muli %add3A, %mul3A_3 : i32
    %jit3A = arith.constant 32 : i32
    %div3A = arith.divsi %mul3A_4, %jit3A : i32
    %sign3A = arith.constant 0 : i32
    %sign3A_5 = arith.cmpi sgt, %mul3A_4, %sign3A : i32
    %sign3A_6 = arith.extui %sign3A_5 : i1 to i32
    %sign3A_7 = arith.constant 0 : i32
    %sign3A_8 = arith.cmpi slt, %mul3A_4, %sign3A_7 : i32
    %sign3A_9 = arith.extui %sign3A_8 : i1 to i32
    %sign3A_10 = arith.subi %sign3A_6, %sign3A_9 : i32
    %sign3A_11 = arith.constant 0 : i32
    %sign3A_12 = arith.cmpi sgt, %jit3A, %sign3A_11 : i32
    %sign3A_13 = arith.extui %sign3A_12 : i1 to i32
    %sign3A_14 = arith.constant 0 : i32
    %sign3A_15 = arith.cmpi slt, %jit3A, %sign3A_14 : i32
    %sign3A_16 = arith.extui %sign3A_15 : i1 to i32
    %sign3A_17 = arith.subi %sign3A_13, %sign3A_16 : i32
    %ne3A = arith.cmpi ne, %sign3A_10, %sign3A_17 : i32
    %rem3A = arith.remsi %mul3A_4, %jit3A : i32
    %ne3A_18 = arith.constant 0 : i32
    %ne3A_19 = arith.cmpi ne, %rem3A, %ne3A_18 : i32
    %and3A = arith.andi %ne3A, %ne3A_19 : i1
    %sub3A = arith.constant 1 : i32
    %sub3A_20 = arith.subi %div3A, %sub3A : i32
    %select_n3A = arith.select %and3A, %sub3A_20, %div3A : i32
    %add3A_21 = arith.constant 1 : i32
    %add3A_22 = arith.addi %add3A, %add3A_21 : i32
    %mul3A_23 = arith.constant 2500 : i32
    %mul3A_24 = arith.muli %add3A_22, %mul3A_23 : i32
    %jit3A_25 = arith.constant 32 : i32
    %div3A_26 = arith.divsi %mul3A_24, %jit3A_25 : i32
    %sign3A_27 = arith.constant 0 : i32
    %sign3A_28 = arith.cmpi sgt, %mul3A_24, %sign3A_27 : i32
    %sign3A_29 = arith.extui %sign3A_28 : i1 to i32
    %sign3A_30 = arith.constant 0 : i32
    %sign3A_31 = arith.cmpi slt, %mul3A_24, %sign3A_30 : i32
    %sign3A_32 = arith.extui %sign3A_31 : i1 to i32
    %sign3A_33 = arith.subi %sign3A_29, %sign3A_32 : i32
    %sign3A_34 = arith.constant 0 : i32
    %sign3A_35 = arith.cmpi sgt, %jit3A_25, %sign3A_34 : i32
    %sign3A_36 = arith.extui %sign3A_35 : i1 to i32
    %sign3A_37 = arith.constant 0 : i32
    %sign3A_38 = arith.cmpi slt, %jit3A_25, %sign3A_37 : i32
    %sign3A_39 = arith.extui %sign3A_38 : i1 to i32
    %sign3A_40 = arith.subi %sign3A_36, %sign3A_39 : i32
    %ne3A_41 = arith.cmpi ne, %sign3A_33, %sign3A_40 : i32
    %rem3A_42 = arith.remsi %mul3A_24, %jit3A_25 : i32
    %ne3A_43 = arith.constant 0 : i32
    %ne3A_44 = arith.cmpi ne, %rem3A_42, %ne3A_43 : i32
    %and3A_45 = arith.andi %ne3A_41, %ne3A_44 : i1
    %sub3A_46 = arith.constant 1 : i32
    %sub3A_47 = arith.subi %div3A_26, %sub3A_46 : i32
    %select_n3A_48 = arith.select %and3A_45, %sub3A_47, %div3A_26 : i32
    %while3A = arith.constant 0 : i32
    %while3A_49 = arith.subi %select_n3A_48, %select_n3A : i32
    %while3A_50 = arith.addi %select_n3A, %while3A_49 : i32
    %while3A_51 = arith.constant 1 : i32
    %while3A_52 = arith.divsi %while3A_49, %while3A_51 : i32
    %while3A_53 = arith.muli %while3A_52, %while3A_51 : i32
    %while3A_54 = arith.addi %select_n3A, %while3A_53 : i32
    %while3A_55 = arith.constant 1 : i32
    scf.for %while3A_62 = %select_n3A to %while3A_54 step %while3A_55  : i32 {
      %mul3A_63 = arith.constant 128 : i32
      %mul3A_64 = arith.muli %while3A_62, %mul3A_63 : i32
      "tpu.region"() ({
        %run_scoped3A = tpu.sem_alloc : memref<!tpu.dma_semaphore, #tpu.memory_space<semaphore_mem>>
        %dma_start3A_69 = tpu.memref_slice %arg3[%mul3A_64] : memref<320000xi32, #tpu.memory_space<hbm>> -> memref<128xi32, #tpu.memory_space<hbm>>
        %dma_start3A_70 = tpu.memref_slice %arg3[%mul3A_64] : memref<320000xi32, #tpu.memory_space<hbm>> -> memref<128xi32, #tpu.memory_space<hbm>>
        tpu.enqueue_dma source(%dma_start3A_70 : memref<128xi32, #tpu.memory_space<hbm>>) target(%arg9 : memref<128xi32, #tpu.memory_space<vmem>>) target_semaphore(%run_scoped3A : memref<!tpu.dma_semaphore, #tpu.memory_space<semaphore_mem>>)
        %dma_wait3A_71 = tpu.memref_slice %arg3[%mul3A_64] : memref<320000xi32, #tpu.memory_space<hbm>> -> memref<128xi32, #tpu.memory_space<hbm>>
        %dma_wait3A_72 = tpu.memref_slice %arg3[%mul3A_64] : memref<320000xi32, #tpu.memory_space<hbm>> -> memref<128xi32, #tpu.memory_space<hbm>>
        tpu.wait_dma2 semaphore(%run_scoped3A : memref<!tpu.dma_semaphore, #tpu.memory_space<semaphore_mem>>) src(%dma_wait3A_72 : memref<128xi32, #tpu.memory_space<hbm>>) dst(%arg9 : memref<128xi32, #tpu.memory_space<vmem>>)
        tpu.yield
      }) : () -> ()
      "tpu.region"() ({
        %run_scoped3A = tpu.sem_alloc : memref<!tpu.dma_semaphore, #tpu.memory_space<semaphore_mem>>
        %dma_start3A_69 = tpu.memref_slice %arg4[%mul3A_64] : memref<320000xi32, #tpu.memory_space<hbm>> -> memref<128xi32, #tpu.memory_space<hbm>>
        %dma_start3A_70 = tpu.memref_slice %arg4[%mul3A_64] : memref<320000xi32, #tpu.memory_space<hbm>> -> memref<128xi32, #tpu.memory_space<hbm>>
        tpu.enqueue_dma source(%dma_start3A_70 : memref<128xi32, #tpu.memory_space<hbm>>) target(%arg10 : memref<128xi32, #tpu.memory_space<vmem>>) target_semaphore(%run_scoped3A : memref<!tpu.dma_semaphore, #tpu.memory_space<semaphore_mem>>)
        %dma_wait3A_71 = tpu.memref_slice %arg4[%mul3A_64] : memref<320000xi32, #tpu.memory_space<hbm>> -> memref<128xi32, #tpu.memory_space<hbm>>
        %dma_wait3A_72 = tpu.memref_slice %arg4[%mul3A_64] : memref<320000xi32, #tpu.memory_space<hbm>> -> memref<128xi32, #tpu.memory_space<hbm>>
        tpu.wait_dma2 semaphore(%run_scoped3A : memref<!tpu.dma_semaphore, #tpu.memory_space<semaphore_mem>>) src(%dma_wait3A_72 : memref<128xi32, #tpu.memory_space<hbm>>) dst(%arg10 : memref<128xi32, #tpu.memory_space<vmem>>)
        tpu.yield
      }) : () -> ()
      %dma_start3A = arith.constant 0 : i32
      %dma_start3A_65 = arith.constant 0 : i32
      %dma_start3A_66 = tpu.memref_slice %arg2[%dma_start3A, %dma_start3A_65] : memref<10000x64xf32, #tpu.memory_space<hbm>> -> memref<10000x64xf32, #tpu.memory_space<hbm>>
      tpu.enqueue_indirect_dma source(%dma_start3A_66 : memref<10000x64xf32, #tpu.memory_space<hbm>>) target(%arg11 : memref<128x64xf32, #tpu.memory_space<vmem>>) offsets(%arg9 : memref<128xi32, #tpu.memory_space<vmem>>) semaphore(%arg13 : memref<!tpu.dma_semaphore, #tpu.memory_space<semaphore_mem>>)
      %dma_wait3A = arith.constant 0 : i32
      %dma_wait3A_67 = arith.constant 0 : i32
      %dma_wait3A_68 = tpu.memref_slice %arg2[%dma_wait3A, %dma_wait3A_67] : memref<10000x64xf32, #tpu.memory_space<hbm>> -> memref<10000x64xf32, #tpu.memory_space<hbm>>
      tpu.wait_indirect_dma semaphore(%arg13 : memref<!tpu.dma_semaphore, #tpu.memory_space<semaphore_mem>>) src(%dma_wait3A_68 : memref<10000x64xf32, #tpu.memory_space<hbm>>) dst(%arg11 : memref<128x64xf32, #tpu.memory_space<vmem>>)
      "tpu.region"() ({
        %run_scoped3A = tpu.sem_alloc : memref<!tpu.dma_semaphore, #tpu.memory_space<semaphore_mem>>
        %dma_start3A_69 = arith.constant 0 : i32
        %dma_start3A_70 = arith.constant 0 : i32
        %dma_start3A_71 = tpu.memref_slice %arg12[%dma_start3A_69, %dma_start3A_70] : memref<10240x64xf32, #tpu.memory_space<vmem_shared>> -> memref<10240x64xf32, #tpu.memory_space<vmem_shared>>
        tpu.enqueue_indirect_dma source(%arg11 : memref<128x64xf32, #tpu.memory_space<vmem>>) target(%dma_start3A_71 : memref<10240x64xf32, #tpu.memory_space<vmem_shared>>) offsets(%arg10 : memref<128xi32, #tpu.memory_space<vmem>>) semaphore(%run_scoped3A : memref<!tpu.dma_semaphore, #tpu.memory_space<semaphore_mem>>) {add = true}
        %dma_wait3A_72 = arith.constant 0 : i32
        %dma_wait3A_73 = arith.constant 0 : i32
        %dma_wait3A_74 = tpu.memref_slice %arg12[%dma_wait3A_72, %dma_wait3A_73] : memref<10240x64xf32, #tpu.memory_space<vmem_shared>> -> memref<10240x64xf32, #tpu.memory_space<vmem_shared>>
        tpu.wait_indirect_dma semaphore(%run_scoped3A : memref<!tpu.dma_semaphore, #tpu.memory_space<semaphore_mem>>) src(%arg11 : memref<128x64xf32, #tpu.memory_space<vmem>>) dst(%dma_wait3A_74 : memref<10240x64xf32, #tpu.memory_space<vmem_shared>>)
        tpu.yield
      }) : () -> ()
    }
    %while3A_56 = arith.constant 1 : i32
    scf.for %while3A_62 = %while3A_54 to %while3A_50 step %while3A_56  : i32 {
      %mul3A_63 = arith.constant 128 : i32
      %mul3A_64 = arith.muli %while3A_62, %mul3A_63 : i32
      "tpu.region"() ({
        %run_scoped3A = tpu.sem_alloc : memref<!tpu.dma_semaphore, #tpu.memory_space<semaphore_mem>>
        %dma_start3A_69 = tpu.memref_slice %arg3[%mul3A_64] : memref<320000xi32, #tpu.memory_space<hbm>> -> memref<128xi32, #tpu.memory_space<hbm>>
        %dma_start3A_70 = tpu.memref_slice %arg3[%mul3A_64] : memref<320000xi32, #tpu.memory_space<hbm>> -> memref<128xi32, #tpu.memory_space<hbm>>
        tpu.enqueue_dma source(%dma_start3A_70 : memref<128xi32, #tpu.memory_space<hbm>>) target(%arg9 : memref<128xi32, #tpu.memory_space<vmem>>) target_semaphore(%run_scoped3A : memref<!tpu.dma_semaphore, #tpu.memory_space<semaphore_mem>>)
        %dma_wait3A_71 = tpu.memref_slice %arg3[%mul3A_64] : memref<320000xi32, #tpu.memory_space<hbm>> -> memref<128xi32, #tpu.memory_space<hbm>>
        %dma_wait3A_72 = tpu.memref_slice %arg3[%mul3A_64] : memref<320000xi32, #tpu.memory_space<hbm>> -> memref<128xi32, #tpu.memory_space<hbm>>
        tpu.wait_dma2 semaphore(%run_scoped3A : memref<!tpu.dma_semaphore, #tpu.memory_space<semaphore_mem>>) src(%dma_wait3A_72 : memref<128xi32, #tpu.memory_space<hbm>>) dst(%arg9 : memref<128xi32, #tpu.memory_space<vmem>>)
        tpu.yield
      }) : () -> ()
      "tpu.region"() ({
        %run_scoped3A = tpu.sem_alloc : memref<!tpu.dma_semaphore, #tpu.memory_space<semaphore_mem>>
        %dma_start3A_69 = tpu.memref_slice %arg4[%mul3A_64] : memref<320000xi32, #tpu.memory_space<hbm>> -> memref<128xi32, #tpu.memory_space<hbm>>
        %dma_start3A_70 = tpu.memref_slice %arg4[%mul3A_64] : memref<320000xi32, #tpu.memory_space<hbm>> -> memref<128xi32, #tpu.memory_space<hbm>>
        tpu.enqueue_dma source(%dma_start3A_70 : memref<128xi32, #tpu.memory_space<hbm>>) target(%arg10 : memref<128xi32, #tpu.memory_space<vmem>>) target_semaphore(%run_scoped3A : memref<!tpu.dma_semaphore, #tpu.memory_space<semaphore_mem>>)
        %dma_wait3A_71 = tpu.memref_slice %arg4[%mul3A_64] : memref<320000xi32, #tpu.memory_space<hbm>> -> memref<128xi32, #tpu.memory_space<hbm>>
        %dma_wait3A_72 = tpu.memref_slice %arg4[%mul3A_64] : memref<320000xi32, #tpu.memory_space<hbm>> -> memref<128xi32, #tpu.memory_space<hbm>>
        tpu.wait_dma2 semaphore(%run_scoped3A : memref<!tpu.dma_semaphore, #tpu.memory_space<semaphore_mem>>) src(%dma_wait3A_72 : memref<128xi32, #tpu.memory_space<hbm>>) dst(%arg10 : memref<128xi32, #tpu.memory_space<vmem>>)
        tpu.yield
      }) : () -> ()
      %dma_start3A = arith.constant 0 : i32
      %dma_start3A_65 = arith.constant 0 : i32
      %dma_start3A_66 = tpu.memref_slice %arg2[%dma_start3A, %dma_start3A_65] : memref<10000x64xf32, #tpu.memory_space<hbm>> -> memref<10000x64xf32, #tpu.memory_space<hbm>>
      tpu.enqueue_indirect_dma source(%dma_start3A_66 : memref<10000x64xf32, #tpu.memory_space<hbm>>) target(%arg11 : memref<128x64xf32, #tpu.memory_space<vmem>>) offsets(%arg9 : memref<128xi32, #tpu.memory_space<vmem>>) semaphore(%arg13 : memref<!tpu.dma_semaphore, #tpu.memory_space<semaphore_mem>>)
      %dma_wait3A = arith.constant 0 : i32
      %dma_wait3A_67 = arith.constant 0 : i32
      %dma_wait3A_68 = tpu.memref_slice %arg2[%dma_wait3A, %dma_wait3A_67] : memref<10000x64xf32, #tpu.memory_space<hbm>> -> memref<10000x64xf32, #tpu.memory_space<hbm>>
      tpu.wait_indirect_dma semaphore(%arg13 : memref<!tpu.dma_semaphore, #tpu.memory_space<semaphore_mem>>) src(%dma_wait3A_68 : memref<10000x64xf32, #tpu.memory_space<hbm>>) dst(%arg11 : memref<128x64xf32, #tpu.memory_space<vmem>>)
      "tpu.region"() ({
        %run_scoped3A = tpu.sem_alloc : memref<!tpu.dma_semaphore, #tpu.memory_space<semaphore_mem>>
        %dma_start3A_69 = arith.constant 0 : i32
        %dma_start3A_70 = arith.constant 0 : i32
        %dma_start3A_71 = tpu.memref_slice %arg12[%dma_start3A_69, %dma_start3A_70] : memref<10240x64xf32, #tpu.memory_space<vmem_shared>> -> memref<10240x64xf32, #tpu.memory_space<vmem_shared>>
        tpu.enqueue_indirect_dma source(%arg11 : memref<128x64xf32, #tpu.memory_space<vmem>>) target(%dma_start3A_71 : memref<10240x64xf32, #tpu.memory_space<vmem_shared>>) offsets(%arg10 : memref<128xi32, #tpu.memory_space<vmem>>) semaphore(%run_scoped3A : memref<!tpu.dma_semaphore, #tpu.memory_space<semaphore_mem>>) {add = true}
        %dma_wait3A_72 = arith.constant 0 : i32
        %dma_wait3A_73 = arith.constant 0 : i32
        %dma_wait3A_74 = tpu.memref_slice %arg12[%dma_wait3A_72, %dma_wait3A_73] : memref<10240x64xf32, #tpu.memory_space<vmem_shared>> -> memref<10240x64xf32, #tpu.memory_space<vmem_shared>>
        tpu.wait_indirect_dma semaphore(%run_scoped3A : memref<!tpu.dma_semaphore, #tpu.memory_space<semaphore_mem>>) src(%arg11 : memref<128x64xf32, #tpu.memory_space<vmem>>) dst(%dma_wait3A_74 : memref<10240x64xf32, #tpu.memory_space<vmem_shared>>)
        tpu.yield
      }) : () -> ()
    }
    %barrier3A_57 = arith.constant 0 : index
    tpu.barrier barrier_id(%barrier3A_57)
    %mul3A_58 = arith.constant 640 : i32
    %mul3A_59 = arith.muli %arg1, %mul3A_58 : i32
    %mul3A_60 = arith.constant 640 : i32
    %mul3A_61 = arith.muli %arg1, %mul3A_60 : i32
    "tpu.region"() ({
      %run_scoped3A = tpu.sem_alloc : memref<!tpu.dma_semaphore, #tpu.memory_space<semaphore_mem>>
      %dma_start3A = arith.constant 0 : i32
      %dma_start3A_62 = tpu.memref_slice %arg8[%arg0, %mul3A_61, %dma_start3A] : memref<2x10240x64xf32, #tpu.memory_space<hbm>> -> memref<1x640x64xf32, #tpu.memory_space<hbm>>
      %dma_start3A_63 = tpu.memref_squeeze %dma_start3A_62 : memref<1x640x64xf32, #tpu.memory_space<hbm>> -> memref<640x64xf32, #tpu.memory_space<hbm>>
      %dma_start3A_64 = arith.constant 0 : i32
      %dma_start3A_65 = tpu.memref_slice %arg12[%mul3A_59, %dma_start3A_64] : memref<10240x64xf32, #tpu.memory_space<vmem_shared>> -> memref<640x64xf32, #tpu.memory_space<vmem_shared>>
      tpu.enqueue_dma source(%dma_start3A_65 : memref<640x64xf32, #tpu.memory_space<vmem_shared>>) target(%dma_start3A_63 : memref<640x64xf32, #tpu.memory_space<hbm>>) target_semaphore(%run_scoped3A : memref<!tpu.dma_semaphore, #tpu.memory_space<semaphore_mem>>)
      %dma_wait3A = arith.constant 0 : i32
      %dma_wait3A_66 = tpu.memref_slice %arg8[%arg0, %mul3A_61, %dma_wait3A] : memref<2x10240x64xf32, #tpu.memory_space<hbm>> -> memref<1x640x64xf32, #tpu.memory_space<hbm>>
      %dma_wait3A_67 = tpu.memref_squeeze %dma_wait3A_66 : memref<1x640x64xf32, #tpu.memory_space<hbm>> -> memref<640x64xf32, #tpu.memory_space<hbm>>
      %dma_wait3A_68 = arith.constant 0 : i32
      %dma_wait3A_69 = tpu.memref_slice %arg12[%mul3A_59, %dma_wait3A_68] : memref<10240x64xf32, #tpu.memory_space<vmem_shared>> -> memref<640x64xf32, #tpu.memory_space<vmem_shared>>
      tpu.wait_dma2 semaphore(%run_scoped3A : memref<!tpu.dma_semaphore, #tpu.memory_space<semaphore_mem>>) src(%dma_wait3A_69 : memref<640x64xf32, #tpu.memory_space<vmem_shared>>) dst(%dma_wait3A_67 : memref<640x64xf32, #tpu.memory_space<hbm>>)
      tpu.yield
    }) : () -> ()
    return
  }
}

#map = affine_map<(d0, d1) -> (0, 0)>
#map1 = affine_map<(d0, d1) -> (0)>
#map2 = affine_map<(d0, d1) -> (0, 0, 0)>
module attributes {stable_mosaic.version = 14 : i64} {
  func.func @body(%arg0: i32, %arg1: i32, %arg2: memref<10000x128xf32, #tpu.memory_space<hbm>>, %arg3: memref<320000xi32, #tpu.memory_space<hbm>>, %arg4: memref<320000xi32, #tpu.memory_space<hbm>>, %arg5: memref<640x128xf32, #tpu.memory_space<hbm>>, %arg6: memref<640x16xf32, #tpu.memory_space<hbm>>, %arg7: memref<128x16xf32, #tpu.memory_space<hbm>>, %arg8: memref<2x10240x128xf32, #tpu.memory_space<hbm>>, %arg9: memref<128xi32, #tpu.memory_space<vmem>>, %arg10: memref<128xi32, #tpu.memory_space<vmem>>, %arg11: memref<128x128xf32, #tpu.memory_space<vmem>>, %arg12: memref<10240x128xf32, #tpu.memory_space<vmem_shared>>, %arg13: memref<!tpu.dma_semaphore, #tpu.memory_space<semaphore_mem>>) attributes {dimension_semantics = [#tpu.dimension_semantics<core_parallel>, #tpu.dimension_semantics<subcore_parallel>], iteration_bounds = array<i64: 2, 16>, scalar_prefetch = 0 : i64, scratch_operands = 5 : i64, tpu.core_type = #tpu.core_type<sc_vector_subcore>, window_params = [{transform_indices = #map}, {transform_indices = #map1}, {transform_indices = #map1}, {transform_indices = #map}, {transform_indices = #map}, {transform_indices = #map}, {transform_indices = #map2}]} {
    %mul3A = arith.constant 16 : i32
    %mul3A_0 = arith.muli %arg0, %mul3A : i32
    %add3A = arith.addi %mul3A_0, %arg1 : i32
    %mul3A_1 = arith.constant 640 : i32
    %mul3A_2 = arith.muli %arg1, %mul3A_1 : i32
    "tpu.region"() ({
      %run_scoped3A = tpu.sem_alloc : memref<!tpu.dma_semaphore, #tpu.memory_space<semaphore_mem>>
      %dma_start3A = arith.constant 0 : i32
      %dma_start3A_62 = tpu.memref_slice %arg12[%mul3A_2, %dma_start3A] : memref<10240x128xf32, #tpu.memory_space<vmem_shared>> -> memref<640x128xf32, #tpu.memory_space<vmem_shared>>
      tpu.enqueue_dma source(%arg5 : memref<640x128xf32, #tpu.memory_space<hbm>>) target(%dma_start3A_62 : memref<640x128xf32, #tpu.memory_space<vmem_shared>>) target_semaphore(%run_scoped3A : memref<!tpu.dma_semaphore, #tpu.memory_space<semaphore_mem>>)
      %dma_wait3A = arith.constant 0 : i32
      %dma_wait3A_63 = tpu.memref_slice %arg12[%mul3A_2, %dma_wait3A] : memref<10240x128xf32, #tpu.memory_space<vmem_shared>> -> memref<640x128xf32, #tpu.memory_space<vmem_shared>>
      tpu.wait_dma2 semaphore(%run_scoped3A : memref<!tpu.dma_semaphore, #tpu.memory_space<semaphore_mem>>) src(%arg5 : memref<640x128xf32, #tpu.memory_space<hbm>>) dst(%dma_wait3A_63 : memref<640x128xf32, #tpu.memory_space<vmem_shared>>)
      tpu.yield
    }) : () -> ()
    %barrier3A = arith.constant 0 : index
    tpu.barrier barrier_id(%barrier3A)
    %mul3A_3 = arith.constant 2500 : i32
    %mul3A_4 = arith.muli %add3A, %mul3A_3 : i32
    %jit3A = arith.constant 32 : i32
    %div3A = arith.divsi %mul3A_4, %jit3A : i32
    %sign3A = arith.constant 0 : i32
    %sign3A_5 = arith.cmpi sgt, %mul3A_4, %sign3A : i32
    %sign3A_6 = arith.extui %sign3A_5 : i1 to i32
    %sign3A_7 = arith.constant 0 : i32
    %sign3A_8 = arith.cmpi slt, %mul3A_4, %sign3A_7 : i32
    %sign3A_9 = arith.extui %sign3A_8 : i1 to i32
    %sign3A_10 = arith.subi %sign3A_6, %sign3A_9 : i32
    %sign3A_11 = arith.constant 0 : i32
    %sign3A_12 = arith.cmpi sgt, %jit3A, %sign3A_11 : i32
    %sign3A_13 = arith.extui %sign3A_12 : i1 to i32
    %sign3A_14 = arith.constant 0 : i32
    %sign3A_15 = arith.cmpi slt, %jit3A, %sign3A_14 : i32
    %sign3A_16 = arith.extui %sign3A_15 : i1 to i32
    %sign3A_17 = arith.subi %sign3A_13, %sign3A_16 : i32
    %ne3A = arith.cmpi ne, %sign3A_10, %sign3A_17 : i32
    %rem3A = arith.remsi %mul3A_4, %jit3A : i32
    %ne3A_18 = arith.constant 0 : i32
    %ne3A_19 = arith.cmpi ne, %rem3A, %ne3A_18 : i32
    %and3A = arith.andi %ne3A, %ne3A_19 : i1
    %sub3A = arith.constant 1 : i32
    %sub3A_20 = arith.subi %div3A, %sub3A : i32
    %select_n3A = arith.select %and3A, %sub3A_20, %div3A : i32
    %add3A_21 = arith.constant 1 : i32
    %add3A_22 = arith.addi %add3A, %add3A_21 : i32
    %mul3A_23 = arith.constant 2500 : i32
    %mul3A_24 = arith.muli %add3A_22, %mul3A_23 : i32
    %jit3A_25 = arith.constant 32 : i32
    %div3A_26 = arith.divsi %mul3A_24, %jit3A_25 : i32
    %sign3A_27 = arith.constant 0 : i32
    %sign3A_28 = arith.cmpi sgt, %mul3A_24, %sign3A_27 : i32
    %sign3A_29 = arith.extui %sign3A_28 : i1 to i32
    %sign3A_30 = arith.constant 0 : i32
    %sign3A_31 = arith.cmpi slt, %mul3A_24, %sign3A_30 : i32
    %sign3A_32 = arith.extui %sign3A_31 : i1 to i32
    %sign3A_33 = arith.subi %sign3A_29, %sign3A_32 : i32
    %sign3A_34 = arith.constant 0 : i32
    %sign3A_35 = arith.cmpi sgt, %jit3A_25, %sign3A_34 : i32
    %sign3A_36 = arith.extui %sign3A_35 : i1 to i32
    %sign3A_37 = arith.constant 0 : i32
    %sign3A_38 = arith.cmpi slt, %jit3A_25, %sign3A_37 : i32
    %sign3A_39 = arith.extui %sign3A_38 : i1 to i32
    %sign3A_40 = arith.subi %sign3A_36, %sign3A_39 : i32
    %ne3A_41 = arith.cmpi ne, %sign3A_33, %sign3A_40 : i32
    %rem3A_42 = arith.remsi %mul3A_24, %jit3A_25 : i32
    %ne3A_43 = arith.constant 0 : i32
    %ne3A_44 = arith.cmpi ne, %rem3A_42, %ne3A_43 : i32
    %and3A_45 = arith.andi %ne3A_41, %ne3A_44 : i1
    %sub3A_46 = arith.constant 1 : i32
    %sub3A_47 = arith.subi %div3A_26, %sub3A_46 : i32
    %select_n3A_48 = arith.select %and3A_45, %sub3A_47, %div3A_26 : i32
    %while3A = arith.constant 0 : i32
    %while3A_49 = arith.subi %select_n3A_48, %select_n3A : i32
    %while3A_50 = arith.addi %select_n3A, %while3A_49 : i32
    %while3A_51 = arith.constant 1 : i32
    %while3A_52 = arith.divsi %while3A_49, %while3A_51 : i32
    %while3A_53 = arith.muli %while3A_52, %while3A_51 : i32
    %while3A_54 = arith.addi %select_n3A, %while3A_53 : i32
    %while3A_55 = arith.constant 1 : i32
    scf.for %while3A_62 = %select_n3A to %while3A_54 step %while3A_55  : i32 {
      %mul3A_63 = arith.constant 128 : i32
      %mul3A_64 = arith.muli %while3A_62, %mul3A_63 : i32
      "tpu.region"() ({
        %run_scoped3A = tpu.sem_alloc : memref<!tpu.dma_semaphore, #tpu.memory_space<semaphore_mem>>
        %dma_start3A_69 = tpu.memref_slice %arg3[%mul3A_64] : memref<320000xi32, #tpu.memory_space<hbm>> -> memref<128xi32, #tpu.memory_space<hbm>>
        %dma_start3A_70 = tpu.memref_slice %arg3[%mul3A_64] : memref<320000xi32, #tpu.memory_space<hbm>> -> memref<128xi32, #tpu.memory_space<hbm>>
        tpu.enqueue_dma source(%dma_start3A_70 : memref<128xi32, #tpu.memory_space<hbm>>) target(%arg9 : memref<128xi32, #tpu.memory_space<vmem>>) target_semaphore(%run_scoped3A : memref<!tpu.dma_semaphore, #tpu.memory_space<semaphore_mem>>)
        %dma_wait3A_71 = tpu.memref_slice %arg3[%mul3A_64] : memref<320000xi32, #tpu.memory_space<hbm>> -> memref<128xi32, #tpu.memory_space<hbm>>
        %dma_wait3A_72 = tpu.memref_slice %arg3[%mul3A_64] : memref<320000xi32, #tpu.memory_space<hbm>> -> memref<128xi32, #tpu.memory_space<hbm>>
        tpu.wait_dma2 semaphore(%run_scoped3A : memref<!tpu.dma_semaphore, #tpu.memory_space<semaphore_mem>>) src(%dma_wait3A_72 : memref<128xi32, #tpu.memory_space<hbm>>) dst(%arg9 : memref<128xi32, #tpu.memory_space<vmem>>)
        tpu.yield
      }) : () -> ()
      "tpu.region"() ({
        %run_scoped3A = tpu.sem_alloc : memref<!tpu.dma_semaphore, #tpu.memory_space<semaphore_mem>>
        %dma_start3A_69 = tpu.memref_slice %arg4[%mul3A_64] : memref<320000xi32, #tpu.memory_space<hbm>> -> memref<128xi32, #tpu.memory_space<hbm>>
        %dma_start3A_70 = tpu.memref_slice %arg4[%mul3A_64] : memref<320000xi32, #tpu.memory_space<hbm>> -> memref<128xi32, #tpu.memory_space<hbm>>
        tpu.enqueue_dma source(%dma_start3A_70 : memref<128xi32, #tpu.memory_space<hbm>>) target(%arg10 : memref<128xi32, #tpu.memory_space<vmem>>) target_semaphore(%run_scoped3A : memref<!tpu.dma_semaphore, #tpu.memory_space<semaphore_mem>>)
        %dma_wait3A_71 = tpu.memref_slice %arg4[%mul3A_64] : memref<320000xi32, #tpu.memory_space<hbm>> -> memref<128xi32, #tpu.memory_space<hbm>>
        %dma_wait3A_72 = tpu.memref_slice %arg4[%mul3A_64] : memref<320000xi32, #tpu.memory_space<hbm>> -> memref<128xi32, #tpu.memory_space<hbm>>
        tpu.wait_dma2 semaphore(%run_scoped3A : memref<!tpu.dma_semaphore, #tpu.memory_space<semaphore_mem>>) src(%dma_wait3A_72 : memref<128xi32, #tpu.memory_space<hbm>>) dst(%arg10 : memref<128xi32, #tpu.memory_space<vmem>>)
        tpu.yield
      }) : () -> ()
      %dma_start3A = arith.constant 0 : i32
      %dma_start3A_65 = arith.constant 0 : i32
      %dma_start3A_66 = tpu.memref_slice %arg2[%dma_start3A, %dma_start3A_65] : memref<10000x128xf32, #tpu.memory_space<hbm>> -> memref<10000x128xf32, #tpu.memory_space<hbm>>
      tpu.enqueue_indirect_dma source(%dma_start3A_66 : memref<10000x128xf32, #tpu.memory_space<hbm>>) target(%arg11 : memref<128x128xf32, #tpu.memory_space<vmem>>) offsets(%arg9 : memref<128xi32, #tpu.memory_space<vmem>>) semaphore(%arg13 : memref<!tpu.dma_semaphore, #tpu.memory_space<semaphore_mem>>)
      %dma_wait3A = arith.constant 0 : i32
      %dma_wait3A_67 = arith.constant 0 : i32
      %dma_wait3A_68 = tpu.memref_slice %arg2[%dma_wait3A, %dma_wait3A_67] : memref<10000x128xf32, #tpu.memory_space<hbm>> -> memref<10000x128xf32, #tpu.memory_space<hbm>>
      tpu.wait_indirect_dma semaphore(%arg13 : memref<!tpu.dma_semaphore, #tpu.memory_space<semaphore_mem>>) src(%dma_wait3A_68 : memref<10000x128xf32, #tpu.memory_space<hbm>>) dst(%arg11 : memref<128x128xf32, #tpu.memory_space<vmem>>)
      "tpu.region"() ({
        %run_scoped3A = tpu.sem_alloc : memref<!tpu.dma_semaphore, #tpu.memory_space<semaphore_mem>>
        %dma_start3A_69 = arith.constant 0 : i32
        %dma_start3A_70 = arith.constant 0 : i32
        %dma_start3A_71 = tpu.memref_slice %arg12[%dma_start3A_69, %dma_start3A_70] : memref<10240x128xf32, #tpu.memory_space<vmem_shared>> -> memref<10240x128xf32, #tpu.memory_space<vmem_shared>>
        tpu.enqueue_indirect_dma source(%arg11 : memref<128x128xf32, #tpu.memory_space<vmem>>) target(%dma_start3A_71 : memref<10240x128xf32, #tpu.memory_space<vmem_shared>>) offsets(%arg10 : memref<128xi32, #tpu.memory_space<vmem>>) semaphore(%run_scoped3A : memref<!tpu.dma_semaphore, #tpu.memory_space<semaphore_mem>>) {add = true}
        %dma_wait3A_72 = arith.constant 0 : i32
        %dma_wait3A_73 = arith.constant 0 : i32
        %dma_wait3A_74 = tpu.memref_slice %arg12[%dma_wait3A_72, %dma_wait3A_73] : memref<10240x128xf32, #tpu.memory_space<vmem_shared>> -> memref<10240x128xf32, #tpu.memory_space<vmem_shared>>
        tpu.wait_indirect_dma semaphore(%run_scoped3A : memref<!tpu.dma_semaphore, #tpu.memory_space<semaphore_mem>>) src(%arg11 : memref<128x128xf32, #tpu.memory_space<vmem>>) dst(%dma_wait3A_74 : memref<10240x128xf32, #tpu.memory_space<vmem_shared>>)
        tpu.yield
      }) : () -> ()
    }
    %while3A_56 = arith.constant 1 : i32
    scf.for %while3A_62 = %while3A_54 to %while3A_50 step %while3A_56  : i32 {
      %mul3A_63 = arith.constant 128 : i32
      %mul3A_64 = arith.muli %while3A_62, %mul3A_63 : i32
      "tpu.region"() ({
        %run_scoped3A = tpu.sem_alloc : memref<!tpu.dma_semaphore, #tpu.memory_space<semaphore_mem>>
        %dma_start3A_69 = tpu.memref_slice %arg3[%mul3A_64] : memref<320000xi32, #tpu.memory_space<hbm>> -> memref<128xi32, #tpu.memory_space<hbm>>
        %dma_start3A_70 = tpu.memref_slice %arg3[%mul3A_64] : memref<320000xi32, #tpu.memory_space<hbm>> -> memref<128xi32, #tpu.memory_space<hbm>>
        tpu.enqueue_dma source(%dma_start3A_70 : memref<128xi32, #tpu.memory_space<hbm>>) target(%arg9 : memref<128xi32, #tpu.memory_space<vmem>>) target_semaphore(%run_scoped3A : memref<!tpu.dma_semaphore, #tpu.memory_space<semaphore_mem>>)
        %dma_wait3A_71 = tpu.memref_slice %arg3[%mul3A_64] : memref<320000xi32, #tpu.memory_space<hbm>> -> memref<128xi32, #tpu.memory_space<hbm>>
        %dma_wait3A_72 = tpu.memref_slice %arg3[%mul3A_64] : memref<320000xi32, #tpu.memory_space<hbm>> -> memref<128xi32, #tpu.memory_space<hbm>>
        tpu.wait_dma2 semaphore(%run_scoped3A : memref<!tpu.dma_semaphore, #tpu.memory_space<semaphore_mem>>) src(%dma_wait3A_72 : memref<128xi32, #tpu.memory_space<hbm>>) dst(%arg9 : memref<128xi32, #tpu.memory_space<vmem>>)
        tpu.yield
      }) : () -> ()
      "tpu.region"() ({
        %run_scoped3A = tpu.sem_alloc : memref<!tpu.dma_semaphore, #tpu.memory_space<semaphore_mem>>
        %dma_start3A_69 = tpu.memref_slice %arg4[%mul3A_64] : memref<320000xi32, #tpu.memory_space<hbm>> -> memref<128xi32, #tpu.memory_space<hbm>>
        %dma_start3A_70 = tpu.memref_slice %arg4[%mul3A_64] : memref<320000xi32, #tpu.memory_space<hbm>> -> memref<128xi32, #tpu.memory_space<hbm>>
        tpu.enqueue_dma source(%dma_start3A_70 : memref<128xi32, #tpu.memory_space<hbm>>) target(%arg10 : memref<128xi32, #tpu.memory_space<vmem>>) target_semaphore(%run_scoped3A : memref<!tpu.dma_semaphore, #tpu.memory_space<semaphore_mem>>)
        %dma_wait3A_71 = tpu.memref_slice %arg4[%mul3A_64] : memref<320000xi32, #tpu.memory_space<hbm>> -> memref<128xi32, #tpu.memory_space<hbm>>
        %dma_wait3A_72 = tpu.memref_slice %arg4[%mul3A_64] : memref<320000xi32, #tpu.memory_space<hbm>> -> memref<128xi32, #tpu.memory_space<hbm>>
        tpu.wait_dma2 semaphore(%run_scoped3A : memref<!tpu.dma_semaphore, #tpu.memory_space<semaphore_mem>>) src(%dma_wait3A_72 : memref<128xi32, #tpu.memory_space<hbm>>) dst(%arg10 : memref<128xi32, #tpu.memory_space<vmem>>)
        tpu.yield
      }) : () -> ()
      %dma_start3A = arith.constant 0 : i32
      %dma_start3A_65 = arith.constant 0 : i32
      %dma_start3A_66 = tpu.memref_slice %arg2[%dma_start3A, %dma_start3A_65] : memref<10000x128xf32, #tpu.memory_space<hbm>> -> memref<10000x128xf32, #tpu.memory_space<hbm>>
      tpu.enqueue_indirect_dma source(%dma_start3A_66 : memref<10000x128xf32, #tpu.memory_space<hbm>>) target(%arg11 : memref<128x128xf32, #tpu.memory_space<vmem>>) offsets(%arg9 : memref<128xi32, #tpu.memory_space<vmem>>) semaphore(%arg13 : memref<!tpu.dma_semaphore, #tpu.memory_space<semaphore_mem>>)
      %dma_wait3A = arith.constant 0 : i32
      %dma_wait3A_67 = arith.constant 0 : i32
      %dma_wait3A_68 = tpu.memref_slice %arg2[%dma_wait3A, %dma_wait3A_67] : memref<10000x128xf32, #tpu.memory_space<hbm>> -> memref<10000x128xf32, #tpu.memory_space<hbm>>
      tpu.wait_indirect_dma semaphore(%arg13 : memref<!tpu.dma_semaphore, #tpu.memory_space<semaphore_mem>>) src(%dma_wait3A_68 : memref<10000x128xf32, #tpu.memory_space<hbm>>) dst(%arg11 : memref<128x128xf32, #tpu.memory_space<vmem>>)
      "tpu.region"() ({
        %run_scoped3A = tpu.sem_alloc : memref<!tpu.dma_semaphore, #tpu.memory_space<semaphore_mem>>
        %dma_start3A_69 = arith.constant 0 : i32
        %dma_start3A_70 = arith.constant 0 : i32
        %dma_start3A_71 = tpu.memref_slice %arg12[%dma_start3A_69, %dma_start3A_70] : memref<10240x128xf32, #tpu.memory_space<vmem_shared>> -> memref<10240x128xf32, #tpu.memory_space<vmem_shared>>
        tpu.enqueue_indirect_dma source(%arg11 : memref<128x128xf32, #tpu.memory_space<vmem>>) target(%dma_start3A_71 : memref<10240x128xf32, #tpu.memory_space<vmem_shared>>) offsets(%arg10 : memref<128xi32, #tpu.memory_space<vmem>>) semaphore(%run_scoped3A : memref<!tpu.dma_semaphore, #tpu.memory_space<semaphore_mem>>) {add = true}
        %dma_wait3A_72 = arith.constant 0 : i32
        %dma_wait3A_73 = arith.constant 0 : i32
        %dma_wait3A_74 = tpu.memref_slice %arg12[%dma_wait3A_72, %dma_wait3A_73] : memref<10240x128xf32, #tpu.memory_space<vmem_shared>> -> memref<10240x128xf32, #tpu.memory_space<vmem_shared>>
        tpu.wait_indirect_dma semaphore(%run_scoped3A : memref<!tpu.dma_semaphore, #tpu.memory_space<semaphore_mem>>) src(%arg11 : memref<128x128xf32, #tpu.memory_space<vmem>>) dst(%dma_wait3A_74 : memref<10240x128xf32, #tpu.memory_space<vmem_shared>>)
        tpu.yield
      }) : () -> ()
    }
    %barrier3A_57 = arith.constant 0 : index
    tpu.barrier barrier_id(%barrier3A_57)
    %mul3A_58 = arith.constant 640 : i32
    %mul3A_59 = arith.muli %arg1, %mul3A_58 : i32
    %mul3A_60 = arith.constant 640 : i32
    %mul3A_61 = arith.muli %arg1, %mul3A_60 : i32
    "tpu.region"() ({
      %run_scoped3A = tpu.sem_alloc : memref<!tpu.dma_semaphore, #tpu.memory_space<semaphore_mem>>
      %dma_start3A = arith.constant 0 : i32
      %dma_start3A_62 = tpu.memref_slice %arg8[%arg0, %mul3A_61, %dma_start3A] : memref<2x10240x128xf32, #tpu.memory_space<hbm>> -> memref<1x640x128xf32, #tpu.memory_space<hbm>>
      %dma_start3A_63 = tpu.memref_squeeze %dma_start3A_62 : memref<1x640x128xf32, #tpu.memory_space<hbm>> -> memref<640x128xf32, #tpu.memory_space<hbm>>
      %dma_start3A_64 = arith.constant 0 : i32
      %dma_start3A_65 = tpu.memref_slice %arg12[%mul3A_59, %dma_start3A_64] : memref<10240x128xf32, #tpu.memory_space<vmem_shared>> -> memref<640x128xf32, #tpu.memory_space<vmem_shared>>
      tpu.enqueue_dma source(%dma_start3A_65 : memref<640x128xf32, #tpu.memory_space<vmem_shared>>) target(%dma_start3A_63 : memref<640x128xf32, #tpu.memory_space<hbm>>) target_semaphore(%run_scoped3A : memref<!tpu.dma_semaphore, #tpu.memory_space<semaphore_mem>>)
      %dma_wait3A = arith.constant 0 : i32
      %dma_wait3A_66 = tpu.memref_slice %arg8[%arg0, %mul3A_61, %dma_wait3A] : memref<2x10240x128xf32, #tpu.memory_space<hbm>> -> memref<1x640x128xf32, #tpu.memory_space<hbm>>
      %dma_wait3A_67 = tpu.memref_squeeze %dma_wait3A_66 : memref<1x640x128xf32, #tpu.memory_space<hbm>> -> memref<640x128xf32, #tpu.memory_space<hbm>>
      %dma_wait3A_68 = arith.constant 0 : i32
      %dma_wait3A_69 = tpu.memref_slice %arg12[%mul3A_59, %dma_wait3A_68] : memref<10240x128xf32, #tpu.memory_space<vmem_shared>> -> memref<640x128xf32, #tpu.memory_space<vmem_shared>>
      tpu.wait_dma2 semaphore(%run_scoped3A : memref<!tpu.dma_semaphore, #tpu.memory_space<semaphore_mem>>) src(%dma_wait3A_69 : memref<640x128xf32, #tpu.memory_space<vmem_shared>>) dst(%dma_wait3A_67 : memref<640x128xf32, #tpu.memory_space<hbm>>)
      tpu.yield
    }) : () -> ()
    return
  }
}

#map = affine_map<(d0, d1) -> (0, 0)>
#map1 = affine_map<(d0, d1) -> (0)>
#map2 = affine_map<(d0, d1) -> (0, 0, 0)>
module attributes {stable_mosaic.version = 14 : i64} {
  func.func @body(%arg0: i32, %arg1: i32, %arg2: memref<10000x128xf32, #tpu.memory_space<hbm>>, %arg3: memref<320000xi32, #tpu.memory_space<hbm>>, %arg4: memref<320000xi32, #tpu.memory_space<hbm>>, %arg5: memref<640x128xf32, #tpu.memory_space<hbm>>, %arg6: memref<640x16xf32, #tpu.memory_space<hbm>>, %arg7: memref<128x16xf32, #tpu.memory_space<hbm>>, %arg8: memref<2x10240x128xf32, #tpu.memory_space<hbm>>, %arg9: memref<2x10240x16xf32, #tpu.memory_space<hbm>>, %arg10: memref<128xi32, #tpu.memory_space<vmem>>, %arg11: memref<128xi32, #tpu.memory_space<vmem>>, %arg12: memref<128x128xf32, #tpu.memory_space<vmem>>, %arg13: memref<10240x128xf32, #tpu.memory_space<vmem_shared>>, %arg14: memref<!tpu.dma_semaphore, #tpu.memory_space<semaphore_mem>>, %arg15: memref<128x16xf32, #tpu.memory_space<vmem>>, %arg16: memref<10240x16xf32, #tpu.memory_space<vmem_shared>>) attributes {dimension_semantics = [#tpu.dimension_semantics<core_parallel>, #tpu.dimension_semantics<subcore_parallel>], iteration_bounds = array<i64: 2, 16>, scalar_prefetch = 0 : i64, scratch_operands = 7 : i64, tpu.core_type = #tpu.core_type<sc_vector_subcore>, window_params = [{transform_indices = #map}, {transform_indices = #map1}, {transform_indices = #map1}, {transform_indices = #map}, {transform_indices = #map}, {transform_indices = #map}, {transform_indices = #map2}, {transform_indices = #map2}]} {
    %mul3A = arith.constant 16 : i32
    %mul3A_0 = arith.muli %arg0, %mul3A : i32
    %add3A = arith.addi %mul3A_0, %arg1 : i32
    %mul3A_1 = arith.constant 640 : i32
    %mul3A_2 = arith.muli %arg1, %mul3A_1 : i32
    "tpu.region"() ({
      %run_scoped3A = tpu.sem_alloc : memref<!tpu.dma_semaphore, #tpu.memory_space<semaphore_mem>>
      %dma_start3A = arith.constant 0 : i32
      %dma_start3A_68 = tpu.memref_slice %arg13[%mul3A_2, %dma_start3A] : memref<10240x128xf32, #tpu.memory_space<vmem_shared>> -> memref<640x128xf32, #tpu.memory_space<vmem_shared>>
      tpu.enqueue_dma source(%arg5 : memref<640x128xf32, #tpu.memory_space<hbm>>) target(%dma_start3A_68 : memref<640x128xf32, #tpu.memory_space<vmem_shared>>) target_semaphore(%run_scoped3A : memref<!tpu.dma_semaphore, #tpu.memory_space<semaphore_mem>>)
      %dma_wait3A = arith.constant 0 : i32
      %dma_wait3A_69 = tpu.memref_slice %arg13[%mul3A_2, %dma_wait3A] : memref<10240x128xf32, #tpu.memory_space<vmem_shared>> -> memref<640x128xf32, #tpu.memory_space<vmem_shared>>
      tpu.wait_dma2 semaphore(%run_scoped3A : memref<!tpu.dma_semaphore, #tpu.memory_space<semaphore_mem>>) src(%arg5 : memref<640x128xf32, #tpu.memory_space<hbm>>) dst(%dma_wait3A_69 : memref<640x128xf32, #tpu.memory_space<vmem_shared>>)
      tpu.yield
    }) : () -> ()
    %mul3A_3 = arith.constant 640 : i32
    %mul3A_4 = arith.muli %arg1, %mul3A_3 : i32
    "tpu.region"() ({
      %run_scoped3A = tpu.sem_alloc : memref<!tpu.dma_semaphore, #tpu.memory_space<semaphore_mem>>
      %dma_start3A = arith.constant 0 : i32
      %dma_start3A_68 = tpu.memref_slice %arg16[%mul3A_4, %dma_start3A] : memref<10240x16xf32, #tpu.memory_space<vmem_shared>> -> memref<640x16xf32, #tpu.memory_space<vmem_shared>>
      tpu.enqueue_dma source(%arg6 : memref<640x16xf32, #tpu.memory_space<hbm>>) target(%dma_start3A_68 : memref<640x16xf32, #tpu.memory_space<vmem_shared>>) target_semaphore(%run_scoped3A : memref<!tpu.dma_semaphore, #tpu.memory_space<semaphore_mem>>)
      %dma_wait3A = arith.constant 0 : i32
      %dma_wait3A_69 = tpu.memref_slice %arg16[%mul3A_4, %dma_wait3A] : memref<10240x16xf32, #tpu.memory_space<vmem_shared>> -> memref<640x16xf32, #tpu.memory_space<vmem_shared>>
      tpu.wait_dma2 semaphore(%run_scoped3A : memref<!tpu.dma_semaphore, #tpu.memory_space<semaphore_mem>>) src(%arg6 : memref<640x16xf32, #tpu.memory_space<hbm>>) dst(%dma_wait3A_69 : memref<640x16xf32, #tpu.memory_space<vmem_shared>>)
      tpu.yield
    }) : () -> ()
    "tpu.region"() ({
      %run_scoped3A = tpu.sem_alloc : memref<!tpu.dma_semaphore, #tpu.memory_space<semaphore_mem>>
      tpu.enqueue_dma source(%arg7 : memref<128x16xf32, #tpu.memory_space<hbm>>) target(%arg15 : memref<128x16xf32, #tpu.memory_space<vmem>>) target_semaphore(%run_scoped3A : memref<!tpu.dma_semaphore, #tpu.memory_space<semaphore_mem>>)
      tpu.wait_dma2 semaphore(%run_scoped3A : memref<!tpu.dma_semaphore, #tpu.memory_space<semaphore_mem>>) src(%arg7 : memref<128x16xf32, #tpu.memory_space<hbm>>) dst(%arg15 : memref<128x16xf32, #tpu.memory_space<vmem>>)
      tpu.yield
    }) : () -> ()
    %barrier3A = arith.constant 0 : index
    tpu.barrier barrier_id(%barrier3A)
    %mul3A_5 = arith.constant 2500 : i32
    %mul3A_6 = arith.muli %add3A, %mul3A_5 : i32
    %jit3A = arith.constant 32 : i32
    %div3A = arith.divsi %mul3A_6, %jit3A : i32
    %sign3A = arith.constant 0 : i32
    %sign3A_7 = arith.cmpi sgt, %mul3A_6, %sign3A : i32
    %sign3A_8 = arith.extui %sign3A_7 : i1 to i32
    %sign3A_9 = arith.constant 0 : i32
    %sign3A_10 = arith.cmpi slt, %mul3A_6, %sign3A_9 : i32
    %sign3A_11 = arith.extui %sign3A_10 : i1 to i32
    %sign3A_12 = arith.subi %sign3A_8, %sign3A_11 : i32
    %sign3A_13 = arith.constant 0 : i32
    %sign3A_14 = arith.cmpi sgt, %jit3A, %sign3A_13 : i32
    %sign3A_15 = arith.extui %sign3A_14 : i1 to i32
    %sign3A_16 = arith.constant 0 : i32
    %sign3A_17 = arith.cmpi slt, %jit3A, %sign3A_16 : i32
    %sign3A_18 = arith.extui %sign3A_17 : i1 to i32
    %sign3A_19 = arith.subi %sign3A_15, %sign3A_18 : i32
    %ne3A = arith.cmpi ne, %sign3A_12, %sign3A_19 : i32
    %rem3A = arith.remsi %mul3A_6, %jit3A : i32
    %ne3A_20 = arith.constant 0 : i32
    %ne3A_21 = arith.cmpi ne, %rem3A, %ne3A_20 : i32
    %and3A = arith.andi %ne3A, %ne3A_21 : i1
    %sub3A = arith.constant 1 : i32
    %sub3A_22 = arith.subi %div3A, %sub3A : i32
    %select_n3A = arith.select %and3A, %sub3A_22, %div3A : i32
    %add3A_23 = arith.constant 1 : i32
    %add3A_24 = arith.addi %add3A, %add3A_23 : i32
    %mul3A_25 = arith.constant 2500 : i32
    %mul3A_26 = arith.muli %add3A_24, %mul3A_25 : i32
    %jit3A_27 = arith.constant 32 : i32
    %div3A_28 = arith.divsi %mul3A_26, %jit3A_27 : i32
    %sign3A_29 = arith.constant 0 : i32
    %sign3A_30 = arith.cmpi sgt, %mul3A_26, %sign3A_29 : i32
    %sign3A_31 = arith.extui %sign3A_30 : i1 to i32
    %sign3A_32 = arith.constant 0 : i32
    %sign3A_33 = arith.cmpi slt, %mul3A_26, %sign3A_32 : i32
    %sign3A_34 = arith.extui %sign3A_33 : i1 to i32
    %sign3A_35 = arith.subi %sign3A_31, %sign3A_34 : i32
    %sign3A_36 = arith.constant 0 : i32
    %sign3A_37 = arith.cmpi sgt, %jit3A_27, %sign3A_36 : i32
    %sign3A_38 = arith.extui %sign3A_37 : i1 to i32
    %sign3A_39 = arith.constant 0 : i32
    %sign3A_40 = arith.cmpi slt, %jit3A_27, %sign3A_39 : i32
    %sign3A_41 = arith.extui %sign3A_40 : i1 to i32
    %sign3A_42 = arith.subi %sign3A_38, %sign3A_41 : i32
    %ne3A_43 = arith.cmpi ne, %sign3A_35, %sign3A_42 : i32
    %rem3A_44 = arith.remsi %mul3A_26, %jit3A_27 : i32
    %ne3A_45 = arith.constant 0 : i32
    %ne3A_46 = arith.cmpi ne, %rem3A_44, %ne3A_45 : i32
    %and3A_47 = arith.andi %ne3A_43, %ne3A_46 : i1
    %sub3A_48 = arith.constant 1 : i32
    %sub3A_49 = arith.subi %div3A_28, %sub3A_48 : i32
    %select_n3A_50 = arith.select %and3A_47, %sub3A_49, %div3A_28 : i32
    %while3A = arith.constant 0 : i32
    %while3A_51 = arith.subi %select_n3A_50, %select_n3A : i32
    %while3A_52 = arith.addi %select_n3A, %while3A_51 : i32
    %while3A_53 = arith.constant 1 : i32
    %while3A_54 = arith.divsi %while3A_51, %while3A_53 : i32
    %while3A_55 = arith.muli %while3A_54, %while3A_53 : i32
    %while3A_56 = arith.addi %select_n3A, %while3A_55 : i32
    %while3A_57 = arith.constant 1 : i32
    scf.for %while3A_68 = %select_n3A to %while3A_56 step %while3A_57  : i32 {
      %mul3A_69 = arith.constant 128 : i32
      %mul3A_70 = arith.muli %while3A_68, %mul3A_69 : i32
      "tpu.region"() ({
        %run_scoped3A = tpu.sem_alloc : memref<!tpu.dma_semaphore, #tpu.memory_space<semaphore_mem>>
        %dma_start3A_75 = tpu.memref_slice %arg3[%mul3A_70] : memref<320000xi32, #tpu.memory_space<hbm>> -> memref<128xi32, #tpu.memory_space<hbm>>
        %dma_start3A_76 = tpu.memref_slice %arg3[%mul3A_70] : memref<320000xi32, #tpu.memory_space<hbm>> -> memref<128xi32, #tpu.memory_space<hbm>>
        tpu.enqueue_dma source(%dma_start3A_76 : memref<128xi32, #tpu.memory_space<hbm>>) target(%arg10 : memref<128xi32, #tpu.memory_space<vmem>>) target_semaphore(%run_scoped3A : memref<!tpu.dma_semaphore, #tpu.memory_space<semaphore_mem>>)
        %dma_wait3A_77 = tpu.memref_slice %arg3[%mul3A_70] : memref<320000xi32, #tpu.memory_space<hbm>> -> memref<128xi32, #tpu.memory_space<hbm>>
        %dma_wait3A_78 = tpu.memref_slice %arg3[%mul3A_70] : memref<320000xi32, #tpu.memory_space<hbm>> -> memref<128xi32, #tpu.memory_space<hbm>>
        tpu.wait_dma2 semaphore(%run_scoped3A : memref<!tpu.dma_semaphore, #tpu.memory_space<semaphore_mem>>) src(%dma_wait3A_78 : memref<128xi32, #tpu.memory_space<hbm>>) dst(%arg10 : memref<128xi32, #tpu.memory_space<vmem>>)
        tpu.yield
      }) : () -> ()
      "tpu.region"() ({
        %run_scoped3A = tpu.sem_alloc : memref<!tpu.dma_semaphore, #tpu.memory_space<semaphore_mem>>
        %dma_start3A_75 = tpu.memref_slice %arg4[%mul3A_70] : memref<320000xi32, #tpu.memory_space<hbm>> -> memref<128xi32, #tpu.memory_space<hbm>>
        %dma_start3A_76 = tpu.memref_slice %arg4[%mul3A_70] : memref<320000xi32, #tpu.memory_space<hbm>> -> memref<128xi32, #tpu.memory_space<hbm>>
        tpu.enqueue_dma source(%dma_start3A_76 : memref<128xi32, #tpu.memory_space<hbm>>) target(%arg11 : memref<128xi32, #tpu.memory_space<vmem>>) target_semaphore(%run_scoped3A : memref<!tpu.dma_semaphore, #tpu.memory_space<semaphore_mem>>)
        %dma_wait3A_77 = tpu.memref_slice %arg4[%mul3A_70] : memref<320000xi32, #tpu.memory_space<hbm>> -> memref<128xi32, #tpu.memory_space<hbm>>
        %dma_wait3A_78 = tpu.memref_slice %arg4[%mul3A_70] : memref<320000xi32, #tpu.memory_space<hbm>> -> memref<128xi32, #tpu.memory_space<hbm>>
        tpu.wait_dma2 semaphore(%run_scoped3A : memref<!tpu.dma_semaphore, #tpu.memory_space<semaphore_mem>>) src(%dma_wait3A_78 : memref<128xi32, #tpu.memory_space<hbm>>) dst(%arg11 : memref<128xi32, #tpu.memory_space<vmem>>)
        tpu.yield
      }) : () -> ()
      %dma_start3A = arith.constant 0 : i32
      %dma_start3A_71 = arith.constant 0 : i32
      %dma_start3A_72 = tpu.memref_slice %arg2[%dma_start3A, %dma_start3A_71] : memref<10000x128xf32, #tpu.memory_space<hbm>> -> memref<10000x128xf32, #tpu.memory_space<hbm>>
      tpu.enqueue_indirect_dma source(%dma_start3A_72 : memref<10000x128xf32, #tpu.memory_space<hbm>>) target(%arg12 : memref<128x128xf32, #tpu.memory_space<vmem>>) offsets(%arg10 : memref<128xi32, #tpu.memory_space<vmem>>) semaphore(%arg14 : memref<!tpu.dma_semaphore, #tpu.memory_space<semaphore_mem>>)
      %dma_wait3A = arith.constant 0 : i32
      %dma_wait3A_73 = arith.constant 0 : i32
      %dma_wait3A_74 = tpu.memref_slice %arg2[%dma_wait3A, %dma_wait3A_73] : memref<10000x128xf32, #tpu.memory_space<hbm>> -> memref<10000x128xf32, #tpu.memory_space<hbm>>
      tpu.wait_indirect_dma semaphore(%arg14 : memref<!tpu.dma_semaphore, #tpu.memory_space<semaphore_mem>>) src(%dma_wait3A_74 : memref<10000x128xf32, #tpu.memory_space<hbm>>) dst(%arg12 : memref<128x128xf32, #tpu.memory_space<vmem>>)
      "tpu.region"() ({
        %run_scoped3A = tpu.sem_alloc : memref<!tpu.dma_semaphore, #tpu.memory_space<semaphore_mem>>
        %dma_start3A_75 = arith.constant 0 : i32
        %dma_start3A_76 = arith.constant 0 : i32
        %dma_start3A_77 = tpu.memref_slice %arg13[%dma_start3A_75, %dma_start3A_76] : memref<10240x128xf32, #tpu.memory_space<vmem_shared>> -> memref<10240x128xf32, #tpu.memory_space<vmem_shared>>
        tpu.enqueue_indirect_dma source(%arg12 : memref<128x128xf32, #tpu.memory_space<vmem>>) target(%dma_start3A_77 : memref<10240x128xf32, #tpu.memory_space<vmem_shared>>) offsets(%arg11 : memref<128xi32, #tpu.memory_space<vmem>>) semaphore(%run_scoped3A : memref<!tpu.dma_semaphore, #tpu.memory_space<semaphore_mem>>) {add = true}
        %dma_wait3A_78 = arith.constant 0 : i32
        %dma_wait3A_79 = arith.constant 0 : i32
        %dma_wait3A_80 = tpu.memref_slice %arg13[%dma_wait3A_78, %dma_wait3A_79] : memref<10240x128xf32, #tpu.memory_space<vmem_shared>> -> memref<10240x128xf32, #tpu.memory_space<vmem_shared>>
        tpu.wait_indirect_dma semaphore(%run_scoped3A : memref<!tpu.dma_semaphore, #tpu.memory_space<semaphore_mem>>) src(%arg12 : memref<128x128xf32, #tpu.memory_space<vmem>>) dst(%dma_wait3A_80 : memref<10240x128xf32, #tpu.memory_space<vmem_shared>>)
        tpu.yield
      }) : () -> ()
      "tpu.region"() ({
        %run_scoped3A = tpu.sem_alloc : memref<!tpu.dma_semaphore, #tpu.memory_space<semaphore_mem>>
        %dma_start3A_75 = arith.constant 0 : i32
        %dma_start3A_76 = arith.constant 0 : i32
        %dma_start3A_77 = tpu.memref_slice %arg16[%dma_start3A_75, %dma_start3A_76] : memref<10240x16xf32, #tpu.memory_space<vmem_shared>> -> memref<10240x16xf32, #tpu.memory_space<vmem_shared>>
        tpu.enqueue_indirect_dma source(%arg15 : memref<128x16xf32, #tpu.memory_space<vmem>>) target(%dma_start3A_77 : memref<10240x16xf32, #tpu.memory_space<vmem_shared>>) offsets(%arg11 : memref<128xi32, #tpu.memory_space<vmem>>) semaphore(%run_scoped3A : memref<!tpu.dma_semaphore, #tpu.memory_space<semaphore_mem>>) {add = true}
        %dma_wait3A_78 = arith.constant 0 : i32
        %dma_wait3A_79 = arith.constant 0 : i32
        %dma_wait3A_80 = tpu.memref_slice %arg16[%dma_wait3A_78, %dma_wait3A_79] : memref<10240x16xf32, #tpu.memory_space<vmem_shared>> -> memref<10240x16xf32, #tpu.memory_space<vmem_shared>>
        tpu.wait_indirect_dma semaphore(%run_scoped3A : memref<!tpu.dma_semaphore, #tpu.memory_space<semaphore_mem>>) src(%arg15 : memref<128x16xf32, #tpu.memory_space<vmem>>) dst(%dma_wait3A_80 : memref<10240x16xf32, #tpu.memory_space<vmem_shared>>)
        tpu.yield
      }) : () -> ()
    }
    %while3A_58 = arith.constant 1 : i32
    scf.for %while3A_68 = %while3A_56 to %while3A_52 step %while3A_58  : i32 {
      %mul3A_69 = arith.constant 128 : i32
      %mul3A_70 = arith.muli %while3A_68, %mul3A_69 : i32
      "tpu.region"() ({
        %run_scoped3A = tpu.sem_alloc : memref<!tpu.dma_semaphore, #tpu.memory_space<semaphore_mem>>
        %dma_start3A_75 = tpu.memref_slice %arg3[%mul3A_70] : memref<320000xi32, #tpu.memory_space<hbm>> -> memref<128xi32, #tpu.memory_space<hbm>>
        %dma_start3A_76 = tpu.memref_slice %arg3[%mul3A_70] : memref<320000xi32, #tpu.memory_space<hbm>> -> memref<128xi32, #tpu.memory_space<hbm>>
        tpu.enqueue_dma source(%dma_start3A_76 : memref<128xi32, #tpu.memory_space<hbm>>) target(%arg10 : memref<128xi32, #tpu.memory_space<vmem>>) target_semaphore(%run_scoped3A : memref<!tpu.dma_semaphore, #tpu.memory_space<semaphore_mem>>)
        %dma_wait3A_77 = tpu.memref_slice %arg3[%mul3A_70] : memref<320000xi32, #tpu.memory_space<hbm>> -> memref<128xi32, #tpu.memory_space<hbm>>
        %dma_wait3A_78 = tpu.memref_slice %arg3[%mul3A_70] : memref<320000xi32, #tpu.memory_space<hbm>> -> memref<128xi32, #tpu.memory_space<hbm>>
        tpu.wait_dma2 semaphore(%run_scoped3A : memref<!tpu.dma_semaphore, #tpu.memory_space<semaphore_mem>>) src(%dma_wait3A_78 : memref<128xi32, #tpu.memory_space<hbm>>) dst(%arg10 : memref<128xi32, #tpu.memory_space<vmem>>)
        tpu.yield
      }) : () -> ()
      "tpu.region"() ({
        %run_scoped3A = tpu.sem_alloc : memref<!tpu.dma_semaphore, #tpu.memory_space<semaphore_mem>>
        %dma_start3A_75 = tpu.memref_slice %arg4[%mul3A_70] : memref<320000xi32, #tpu.memory_space<hbm>> -> memref<128xi32, #tpu.memory_space<hbm>>
        %dma_start3A_76 = tpu.memref_slice %arg4[%mul3A_70] : memref<320000xi32, #tpu.memory_space<hbm>> -> memref<128xi32, #tpu.memory_space<hbm>>
        tpu.enqueue_dma source(%dma_start3A_76 : memref<128xi32, #tpu.memory_space<hbm>>) target(%arg11 : memref<128xi32, #tpu.memory_space<vmem>>) target_semaphore(%run_scoped3A : memref<!tpu.dma_semaphore, #tpu.memory_space<semaphore_mem>>)
        %dma_wait3A_77 = tpu.memref_slice %arg4[%mul3A_70] : memref<320000xi32, #tpu.memory_space<hbm>> -> memref<128xi32, #tpu.memory_space<hbm>>
        %dma_wait3A_78 = tpu.memref_slice %arg4[%mul3A_70] : memref<320000xi32, #tpu.memory_space<hbm>> -> memref<128xi32, #tpu.memory_space<hbm>>
        tpu.wait_dma2 semaphore(%run_scoped3A : memref<!tpu.dma_semaphore, #tpu.memory_space<semaphore_mem>>) src(%dma_wait3A_78 : memref<128xi32, #tpu.memory_space<hbm>>) dst(%arg11 : memref<128xi32, #tpu.memory_space<vmem>>)
        tpu.yield
      }) : () -> ()
      %dma_start3A = arith.constant 0 : i32
      %dma_start3A_71 = arith.constant 0 : i32
      %dma_start3A_72 = tpu.memref_slice %arg2[%dma_start3A, %dma_start3A_71] : memref<10000x128xf32, #tpu.memory_space<hbm>> -> memref<10000x128xf32, #tpu.memory_space<hbm>>
      tpu.enqueue_indirect_dma source(%dma_start3A_72 : memref<10000x128xf32, #tpu.memory_space<hbm>>) target(%arg12 : memref<128x128xf32, #tpu.memory_space<vmem>>) offsets(%arg10 : memref<128xi32, #tpu.memory_space<vmem>>) semaphore(%arg14 : memref<!tpu.dma_semaphore, #tpu.memory_space<semaphore_mem>>)
      %dma_wait3A = arith.constant 0 : i32
      %dma_wait3A_73 = arith.constant 0 : i32
      %dma_wait3A_74 = tpu.memref_slice %arg2[%dma_wait3A, %dma_wait3A_73] : memref<10000x128xf32, #tpu.memory_space<hbm>> -> memref<10000x128xf32, #tpu.memory_space<hbm>>
      tpu.wait_indirect_dma semaphore(%arg14 : memref<!tpu.dma_semaphore, #tpu.memory_space<semaphore_mem>>) src(%dma_wait3A_74 : memref<10000x128xf32, #tpu.memory_space<hbm>>) dst(%arg12 : memref<128x128xf32, #tpu.memory_space<vmem>>)
      "tpu.region"() ({
        %run_scoped3A = tpu.sem_alloc : memref<!tpu.dma_semaphore, #tpu.memory_space<semaphore_mem>>
        %dma_start3A_75 = arith.constant 0 : i32
        %dma_start3A_76 = arith.constant 0 : i32
        %dma_start3A_77 = tpu.memref_slice %arg13[%dma_start3A_75, %dma_start3A_76] : memref<10240x128xf32, #tpu.memory_space<vmem_shared>> -> memref<10240x128xf32, #tpu.memory_space<vmem_shared>>
        tpu.enqueue_indirect_dma source(%arg12 : memref<128x128xf32, #tpu.memory_space<vmem>>) target(%dma_start3A_77 : memref<10240x128xf32, #tpu.memory_space<vmem_shared>>) offsets(%arg11 : memref<128xi32, #tpu.memory_space<vmem>>) semaphore(%run_scoped3A : memref<!tpu.dma_semaphore, #tpu.memory_space<semaphore_mem>>) {add = true}
        %dma_wait3A_78 = arith.constant 0 : i32
        %dma_wait3A_79 = arith.constant 0 : i32
        %dma_wait3A_80 = tpu.memref_slice %arg13[%dma_wait3A_78, %dma_wait3A_79] : memref<10240x128xf32, #tpu.memory_space<vmem_shared>> -> memref<10240x128xf32, #tpu.memory_space<vmem_shared>>
        tpu.wait_indirect_dma semaphore(%run_scoped3A : memref<!tpu.dma_semaphore, #tpu.memory_space<semaphore_mem>>) src(%arg12 : memref<128x128xf32, #tpu.memory_space<vmem>>) dst(%dma_wait3A_80 : memref<10240x128xf32, #tpu.memory_space<vmem_shared>>)
        tpu.yield
      }) : () -> ()
      "tpu.region"() ({
        %run_scoped3A = tpu.sem_alloc : memref<!tpu.dma_semaphore, #tpu.memory_space<semaphore_mem>>
        %dma_start3A_75 = arith.constant 0 : i32
        %dma_start3A_76 = arith.constant 0 : i32
        %dma_start3A_77 = tpu.memref_slice %arg16[%dma_start3A_75, %dma_start3A_76] : memref<10240x16xf32, #tpu.memory_space<vmem_shared>> -> memref<10240x16xf32, #tpu.memory_space<vmem_shared>>
        tpu.enqueue_indirect_dma source(%arg15 : memref<128x16xf32, #tpu.memory_space<vmem>>) target(%dma_start3A_77 : memref<10240x16xf32, #tpu.memory_space<vmem_shared>>) offsets(%arg11 : memref<128xi32, #tpu.memory_space<vmem>>) semaphore(%run_scoped3A : memref<!tpu.dma_semaphore, #tpu.memory_space<semaphore_mem>>) {add = true}
        %dma_wait3A_78 = arith.constant 0 : i32
        %dma_wait3A_79 = arith.constant 0 : i32
        %dma_wait3A_80 = tpu.memref_slice %arg16[%dma_wait3A_78, %dma_wait3A_79] : memref<10240x16xf32, #tpu.memory_space<vmem_shared>> -> memref<10240x16xf32, #tpu.memory_space<vmem_shared>>
        tpu.wait_indirect_dma semaphore(%run_scoped3A : memref<!tpu.dma_semaphore, #tpu.memory_space<semaphore_mem>>) src(%arg15 : memref<128x16xf32, #tpu.memory_space<vmem>>) dst(%dma_wait3A_80 : memref<10240x16xf32, #tpu.memory_space<vmem_shared>>)
        tpu.yield
      }) : () -> ()
    }
    %barrier3A_59 = arith.constant 0 : index
    tpu.barrier barrier_id(%barrier3A_59)
    %mul3A_60 = arith.constant 640 : i32
    %mul3A_61 = arith.muli %arg1, %mul3A_60 : i32
    %mul3A_62 = arith.constant 640 : i32
    %mul3A_63 = arith.muli %arg1, %mul3A_62 : i32
    "tpu.region"() ({
      %run_scoped3A = tpu.sem_alloc : memref<!tpu.dma_semaphore, #tpu.memory_space<semaphore_mem>>
      %dma_start3A = arith.constant 0 : i32
      %dma_start3A_68 = tpu.memref_slice %arg8[%arg0, %mul3A_63, %dma_start3A] : memref<2x10240x128xf32, #tpu.memory_space<hbm>> -> memref<1x640x128xf32, #tpu.memory_space<hbm>>
      %dma_start3A_69 = tpu.memref_squeeze %dma_start3A_68 : memref<1x640x128xf32, #tpu.memory_space<hbm>> -> memref<640x128xf32, #tpu.memory_space<hbm>>
      %dma_start3A_70 = arith.constant 0 : i32
      %dma_start3A_71 = tpu.memref_slice %arg13[%mul3A_61, %dma_start3A_70] : memref<10240x128xf32, #tpu.memory_space<vmem_shared>> -> memref<640x128xf32, #tpu.memory_space<vmem_shared>>
      tpu.enqueue_dma source(%dma_start3A_71 : memref<640x128xf32, #tpu.memory_space<vmem_shared>>) target(%dma_start3A_69 : memref<640x128xf32, #tpu.memory_space<hbm>>) target_semaphore(%run_scoped3A : memref<!tpu.dma_semaphore, #tpu.memory_space<semaphore_mem>>)
      %dma_wait3A = arith.constant 0 : i32
      %dma_wait3A_72 = tpu.memref_slice %arg8[%arg0, %mul3A_63, %dma_wait3A] : memref<2x10240x128xf32, #tpu.memory_space<hbm>> -> memref<1x640x128xf32, #tpu.memory_space<hbm>>
      %dma_wait3A_73 = tpu.memref_squeeze %dma_wait3A_72 : memref<1x640x128xf32, #tpu.memory_space<hbm>> -> memref<640x128xf32, #tpu.memory_space<hbm>>
      %dma_wait3A_74 = arith.constant 0 : i32
      %dma_wait3A_75 = tpu.memref_slice %arg13[%mul3A_61, %dma_wait3A_74] : memref<10240x128xf32, #tpu.memory_space<vmem_shared>> -> memref<640x128xf32, #tpu.memory_space<vmem_shared>>
      tpu.wait_dma2 semaphore(%run_scoped3A : memref<!tpu.dma_semaphore, #tpu.memory_space<semaphore_mem>>) src(%dma_wait3A_75 : memref<640x128xf32, #tpu.memory_space<vmem_shared>>) dst(%dma_wait3A_73 : memref<640x128xf32, #tpu.memory_space<hbm>>)
      tpu.yield
    }) : () -> ()
    %mul3A_64 = arith.constant 640 : i32
    %mul3A_65 = arith.muli %arg1, %mul3A_64 : i32
    %mul3A_66 = arith.constant 640 : i32
    %mul3A_67 = arith.muli %arg1, %mul3A_66 : i32
    "tpu.region"() ({
      %run_scoped3A = tpu.sem_alloc : memref<!tpu.dma_semaphore, #tpu.memory_space<semaphore_mem>>
      %dma_start3A = arith.constant 0 : i32
      %dma_start3A_68 = tpu.memref_slice %arg9[%arg0, %mul3A_67, %dma_start3A] : memref<2x10240x16xf32, #tpu.memory_space<hbm>> -> memref<1x640x16xf32, #tpu.memory_space<hbm>>
      %dma_start3A_69 = tpu.memref_squeeze %dma_start3A_68 : memref<1x640x16xf32, #tpu.memory_space<hbm>> -> memref<640x16xf32, #tpu.memory_space<hbm>>
      %dma_start3A_70 = arith.constant 0 : i32
      %dma_start3A_71 = tpu.memref_slice %arg16[%mul3A_65, %dma_start3A_70] : memref<10240x16xf32, #tpu.memory_space<vmem_shared>> -> memref<640x16xf32, #tpu.memory_space<vmem_shared>>
      tpu.enqueue_dma source(%dma_start3A_71 : memref<640x16xf32, #tpu.memory_space<vmem_shared>>) target(%dma_start3A_69 : memref<640x16xf32, #tpu.memory_space<hbm>>) target_semaphore(%run_scoped3A : memref<!tpu.dma_semaphore, #tpu.memory_space<semaphore_mem>>)
      %dma_wait3A = arith.constant 0 : i32
      %dma_wait3A_72 = tpu.memref_slice %arg9[%arg0, %mul3A_67, %dma_wait3A] : memref<2x10240x16xf32, #tpu.memory_space<hbm>> -> memref<1x640x16xf32, #tpu.memory_space<hbm>>
      %dma_wait3A_73 = tpu.memref_squeeze %dma_wait3A_72 : memref<1x640x16xf32, #tpu.memory_space<hbm>> -> memref<640x16xf32, #tpu.memory_space<hbm>>
      %dma_wait3A_74 = arith.constant 0 : i32
      %dma_wait3A_75 = tpu.memref_slice %arg16[%mul3A_65, %dma_wait3A_74] : memref<10240x16xf32, #tpu.memory_space<vmem_shared>> -> memref<640x16xf32, #tpu.memory_space<vmem_shared>>
      tpu.wait_dma2 semaphore(%run_scoped3A : memref<!tpu.dma_semaphore, #tpu.memory_space<semaphore_mem>>) src(%dma_wait3A_75 : memref<640x16xf32, #tpu.memory_space<vmem_shared>>) dst(%dma_wait3A_73 : memref<640x16xf32, #tpu.memory_space<hbm>>)
      tpu.yield
    }) : () -> ()
    return
  }
}

module attributes {stable_mosaic.version = 14 : i64} {
  func.func @_lin2_body(%arg0: i32, %arg1: memref<400x128xf32, #tpu.memory_space<vmem>>, %arg2: memref<128x128xf32, #tpu.memory_space<vmem>>, %arg3: memref<128x128xf32, #tpu.memory_space<vmem>>, %arg4: memref<1x128xf32, #tpu.memory_space<vmem>>, %arg5: memref<400x128xf32, #tpu.memory_space<vmem>>, %arg6: memref<400x128xf32, #tpu.memory_space<vmem>>) attributes {dimension_semantics = [#tpu.dimension_semantics<arbitrary>], iteration_bounds = array<i64: 25>, scalar_prefetch = 0 : i64, scratch_operands = 0 : i64, tpu.core_type = #tpu.core_type<tc>, window_params = [{transform_indices = @transform_0, window_bounds = array<i64: 400, 128>}, {pipeline_mode = #tpu.pipeline_mode<synchronous>, transform_indices = @transform_1, window_bounds = array<i64: 128, 128>}, {pipeline_mode = #tpu.pipeline_mode<synchronous>, transform_indices = @transform_2, window_bounds = array<i64: 128, 128>}, {pipeline_mode = #tpu.pipeline_mode<synchronous>, transform_indices = @transform_3, window_bounds = array<i64: 1, 128>}, {transform_indices = @transform_4, window_bounds = array<i64: 400, 128>}, {transform_indices = @transform_5, window_bounds = array<i64: 400, 128>}]} {
    %get3A = arith.constant 0 : index
    %get3A_0 = arith.constant 0 : index
    %get3A_1 = vector.load %arg1[%get3A, %get3A_0] : memref<400x128xf32, #tpu.memory_space<vmem>>, vector<400x128xf32>
    %get3A_2 = arith.constant 0 : index
    %get3A_3 = arith.constant 0 : index
    %get3A_4 = vector.load %arg2[%get3A_2, %get3A_3] : memref<128x128xf32, #tpu.memory_space<vmem>>, vector<128x128xf32>
    %dot_general3A = arith.constant dense<0.000000e+00> : vector<400x128xf32>
    %dot_general3A_5 = tpu.matmul %get3A_1, %get3A_4, %dot_general3A {dimension_numbers = #tpu.dot_dimension_numbers<[1], [0], [0], [1], [0, 0, 1, 1], [], []>, transpose_lhs_hint = false} : vector<400x128xf32>, vector<128x128xf32>, vector<400x128xf32> -> vector<400x128xf32>
    %swap3A = arith.constant 0 : index
    %swap3A_6 = arith.constant 0 : index
    %swap3A_7 = vector.load %arg5[%swap3A, %swap3A_6] : memref<400x128xf32, #tpu.memory_space<vmem>>, vector<400x128xf32>
    tpu.vector_store %arg5[%swap3A, %swap3A_6], %dot_general3A_5 {strides = array<i32>} : memref<400x128xf32, #tpu.memory_space<vmem>>, vector<400x128xf32>,
    %get3A_8 = arith.constant 0 : index
    %get3A_9 = arith.constant 0 : index
    %get3A_10 = vector.load %arg3[%get3A_8, %get3A_9] : memref<128x128xf32, #tpu.memory_space<vmem>>, vector<128x128xf32>
    %dot_general3A_11 = arith.constant dense<0.000000e+00> : vector<400x128xf32>
    %dot_general3A_12 = tpu.matmul %get3A_1, %get3A_10, %dot_general3A_11 {dimension_numbers = #tpu.dot_dimension_numbers<[1], [0], [0], [1], [0, 0, 1, 1], [], []>, transpose_lhs_hint = false} : vector<400x128xf32>, vector<128x128xf32>, vector<400x128xf32> -> vector<400x128xf32>
    %get3A_13 = arith.constant 0 : index
    %get3A_14 = arith.constant 0 : index
    %get3A_15 = vector.load %arg4[%get3A_13, %get3A_14] : memref<1x128xf32, #tpu.memory_space<vmem>>, vector<1x128xf32>
    %add3A = vector.broadcast %get3A_15 : vector<1x128xf32> to vector<400x128xf32>
    %add3A_16 = arith.addf %dot_general3A_12, %add3A : vector<400x128xf32>
    %swap3A_17 = arith.constant 0 : index
    %swap3A_18 = arith.constant 0 : index
    %swap3A_19 = vector.load %arg6[%swap3A_17, %swap3A_18] : memref<400x128xf32, #tpu.memory_space<vmem>>, vector<400x128xf32>
    tpu.vector_store %arg6[%swap3A_17, %swap3A_18], %add3A_16 {strides = array<i32>} : memref<400x128xf32, #tpu.memory_space<vmem>>, vector<400x128xf32>,
    return
  }
  func.func @transform_0(%arg0: i32) -> (i32, i32) {
    %c0_i32 = arith.constant 0 : i32
    %c0_i32_0 = arith.constant 0 : i32
    return %arg0, %c0_i32 : i32, i32
  }
  func.func @transform_1(%arg0: i32) -> (i32, i32) {
    %c0_i32 = arith.constant 0 : i32
    %c0_i32_0 = arith.constant 0 : i32
    %c0_i32_1 = arith.constant 0 : i32
    return %c0_i32, %c0_i32_0 : i32, i32
  }
  func.func @transform_2(%arg0: i32) -> (i32, i32) {
    %c0_i32 = arith.constant 0 : i32
    %c0_i32_0 = arith.constant 0 : i32
    %c0_i32_1 = arith.constant 0 : i32
    return %c0_i32, %c0_i32_0 : i32, i32
  }
  func.func @transform_3(%arg0: i32) -> (i32, i32) {
    %c0_i32 = arith.constant 0 : i32
    %c0_i32_0 = arith.constant 0 : i32
    %c0_i32_1 = arith.constant 0 : i32
    return %c0_i32, %c0_i32_0 : i32, i32
  }
  func.func @transform_4(%arg0: i32) -> (i32, i32) {
    %c0_i32 = arith.constant 0 : i32
    %c0_i32_0 = arith.constant 0 : i32
    return %arg0, %c0_i32 : i32, i32
  }
  func.func @transform_5(%arg0: i32) -> (i32, i32) {
    %c0_i32 = arith.constant 0 : i32
    %c0_i32_0 = arith.constant 0 : i32
    return %arg0, %c0_i32 : i32, i32
  }
}

module attributes {stable_mosaic.version = 14 : i64} {
  func.func @_comb_body(%arg0: i32, %arg1: memref<2x400x128xf32, #tpu.memory_space<vmem>>, %arg2: memref<2x400x16xf32, #tpu.memory_space<vmem>>, %arg3: memref<400x128xf32, #tpu.memory_space<vmem>>, %arg4: memref<128x128xf32, #tpu.memory_space<vmem>>, %arg5: memref<128x128xf32, #tpu.memory_space<vmem>>, %arg6: memref<1x128xf32, #tpu.memory_space<vmem>>, %arg7: memref<400x128xf32, #tpu.memory_space<vmem>>, %arg8: memref<400x128xf32, #tpu.memory_space<vmem>>) attributes {dimension_semantics = [#tpu.dimension_semantics<arbitrary>], iteration_bounds = array<i64: 25>, scalar_prefetch = 0 : i64, scratch_operands = 0 : i64, tpu.core_type = #tpu.core_type<tc>, window_params = [{transform_indices = @transform_0, window_bounds = array<i64: 2, 400, 128>}, {transform_indices = @transform_1, window_bounds = array<i64: 2, 400, 16>}, {transform_indices = @transform_2, window_bounds = array<i64: 400, 128>}, {pipeline_mode = #tpu.pipeline_mode<synchronous>, transform_indices = @transform_3, window_bounds = array<i64: 128, 128>}, {pipeline_mode = #tpu.pipeline_mode<synchronous>, transform_indices = @transform_4, window_bounds = array<i64: 128, 128>}, {pipeline_mode = #tpu.pipeline_mode<synchronous>, transform_indices = @transform_5, window_bounds = array<i64: 1, 128>}, {transform_indices = @transform_6, window_bounds = array<i64: 400, 128>}, {transform_indices = @transform_7, window_bounds = array<i64: 400, 128>}]} {
    %get3A = arith.constant 0 : index
    %get3A_0 = arith.constant 0 : index
    %get3A_1 = arith.constant 0 : index
    %get3A_2 = vector.load %arg2[%get3A, %get3A_0, %get3A_1] : memref<2x400x16xf32, #tpu.memory_space<vmem>>, vector<1x400x1xf32>
    %get3A_3 = vector.shape_cast %get3A_2 : vector<1x400x1xf32> to vector<400x1xf32>
    %get3A_4 = arith.constant 1 : index
    %get3A_5 = arith.constant 0 : index
    %get3A_6 = arith.constant 0 : index
    %get3A_7 = vector.load %arg2[%get3A_4, %get3A_5, %get3A_6] : memref<2x400x16xf32, #tpu.memory_space<vmem>>, vector<1x400x1xf32>
    %get3A_8 = vector.shape_cast %get3A_7 : vector<1x400x1xf32> to vector<400x1xf32>
    %add3A = arith.addf %get3A_3, %get3A_8 : vector<400x1xf32>
    %max3A = arith.constant 1.000000e+00 : f32
    %max3A_9 = vector.broadcast %max3A : f32 to vector<400x1xf32>
    %max3A_10 = arith.maximumf %add3A, %max3A_9 : vector<400x1xf32>
    %div3A = arith.constant 1.000000e+00 : f32
    %div3A_11 = vector.broadcast %div3A : f32 to vector<400x1xf32>
    %div3A_12 = arith.divf %div3A_11, %max3A_10 : vector<400x1xf32>
    %get3A_13 = arith.constant 0 : index
    %get3A_14 = arith.constant 0 : index
    %get3A_15 = arith.constant 0 : index
    %get3A_16 = vector.load %arg1[%get3A_13, %get3A_14, %get3A_15] : memref<2x400x128xf32, #tpu.memory_space<vmem>>, vector<1x400x128xf32>
    %get3A_17 = vector.shape_cast %get3A_16 : vector<1x400x128xf32> to vector<400x128xf32>
    %get3A_18 = arith.constant 1 : index
    %get3A_19 = arith.constant 0 : index
    %get3A_20 = arith.constant 0 : index
    %get3A_21 = vector.load %arg1[%get3A_18, %get3A_19, %get3A_20] : memref<2x400x128xf32, #tpu.memory_space<vmem>>, vector<1x400x128xf32>
    %get3A_22 = vector.shape_cast %get3A_21 : vector<1x400x128xf32> to vector<400x128xf32>
    %add3A_23 = arith.addf %get3A_17, %get3A_22 : vector<400x128xf32>
    %mul3A = vector.broadcast %div3A_12 : vector<400x1xf32> to vector<400x128xf32>
    %mul3A_24 = arith.mulf %add3A_23, %mul3A : vector<400x128xf32>
    %get3A_25 = arith.constant 0 : index
    %get3A_26 = arith.constant 0 : index
    %get3A_27 = vector.load %arg3[%get3A_25, %get3A_26] : memref<400x128xf32, #tpu.memory_space<vmem>>, vector<400x128xf32>
    %add3A_28 = arith.addf %mul3A_24, %get3A_27 : vector<400x128xf32>
    %max3A_29 = arith.constant 0.000000e+00 : f32
    %max3A_30 = vector.broadcast %max3A_29 : f32 to vector<400x128xf32>
    %max3A_31 = arith.maximumf %add3A_28, %max3A_30 : vector<400x128xf32>
    %get3A_32 = arith.constant 0 : index
    %get3A_33 = arith.constant 0 : index
    %get3A_34 = vector.load %arg4[%get3A_32, %get3A_33] : memref<128x128xf32, #tpu.memory_space<vmem>>, vector<128x128xf32>
    %dot_general3A = arith.constant dense<0.000000e+00> : vector<400x128xf32>
    %dot_general3A_35 = tpu.matmul %max3A_31, %get3A_34, %dot_general3A {dimension_numbers = #tpu.dot_dimension_numbers<[1], [0], [0], [1], [0, 0, 1, 1], [], []>, transpose_lhs_hint = false} : vector<400x128xf32>, vector<128x128xf32>, vector<400x128xf32> -> vector<400x128xf32>
    %swap3A = arith.constant 0 : index
    %swap3A_36 = arith.constant 0 : index
    %swap3A_37 = vector.load %arg7[%swap3A, %swap3A_36] : memref<400x128xf32, #tpu.memory_space<vmem>>, vector<400x128xf32>
    tpu.vector_store %arg7[%swap3A, %swap3A_36], %dot_general3A_35 {strides = array<i32>} : memref<400x128xf32, #tpu.memory_space<vmem>>, vector<400x128xf32>,
    %get3A_38 = arith.constant 0 : index
    %get3A_39 = arith.constant 0 : index
    %get3A_40 = vector.load %arg5[%get3A_38, %get3A_39] : memref<128x128xf32, #tpu.memory_space<vmem>>, vector<128x128xf32>
    %dot_general3A_41 = arith.constant dense<0.000000e+00> : vector<400x128xf32>
    %dot_general3A_42 = tpu.matmul %max3A_31, %get3A_40, %dot_general3A_41 {dimension_numbers = #tpu.dot_dimension_numbers<[1], [0], [0], [1], [0, 0, 1, 1], [], []>, transpose_lhs_hint = false} : vector<400x128xf32>, vector<128x128xf32>, vector<400x128xf32> -> vector<400x128xf32>
    %get3A_43 = arith.constant 0 : index
    %get3A_44 = arith.constant 0 : index
    %get3A_45 = vector.load %arg6[%get3A_43, %get3A_44] : memref<1x128xf32, #tpu.memory_space<vmem>>, vector<1x128xf32>
    %add3A_46 = vector.broadcast %get3A_45 : vector<1x128xf32> to vector<400x128xf32>
    %add3A_47 = arith.addf %dot_general3A_42, %add3A_46 : vector<400x128xf32>
    %swap3A_48 = arith.constant 0 : index
    %swap3A_49 = arith.constant 0 : index
    %swap3A_50 = vector.load %arg8[%swap3A_48, %swap3A_49] : memref<400x128xf32, #tpu.memory_space<vmem>>, vector<400x128xf32>
    tpu.vector_store %arg8[%swap3A_48, %swap3A_49], %add3A_47 {strides = array<i32>} : memref<400x128xf32, #tpu.memory_space<vmem>>, vector<400x128xf32>,
    return
  }
  func.func @transform_0(%arg0: i32) -> (i32, i32, i32) {
    %c0_i32 = arith.constant 0 : i32
    %c0_i32_0 = arith.constant 0 : i32
    %c0_i32_1 = arith.constant 0 : i32
    return %c0_i32, %arg0, %c0_i32_0 : i32, i32, i32
  }
  func.func @transform_1(%arg0: i32) -> (i32, i32, i32) {
    %c0_i32 = arith.constant 0 : i32
    %c0_i32_0 = arith.constant 0 : i32
    %c0_i32_1 = arith.constant 0 : i32
    return %c0_i32, %arg0, %c0_i32_0 : i32, i32, i32
  }
  func.func @transform_2(%arg0: i32) -> (i32, i32) {
    %c0_i32 = arith.constant 0 : i32
    %c0_i32_0 = arith.constant 0 : i32
    return %arg0, %c0_i32 : i32, i32
  }
  func.func @transform_3(%arg0: i32) -> (i32, i32) {
    %c0_i32 = arith.constant 0 : i32
    %c0_i32_0 = arith.constant 0 : i32
    %c0_i32_1 = arith.constant 0 : i32
    return %c0_i32, %c0_i32_0 : i32, i32
  }
  func.func @transform_4(%arg0: i32) -> (i32, i32) {
    %c0_i32 = arith.constant 0 : i32
    %c0_i32_0 = arith.constant 0 : i32
    %c0_i32_1 = arith.constant 0 : i32
    return %c0_i32, %c0_i32_0 : i32, i32
  }
  func.func @transform_5(%arg0: i32) -> (i32, i32) {
    %c0_i32 = arith.constant 0 : i32
    %c0_i32_0 = arith.constant 0 : i32
    %c0_i32_1 = arith.constant 0 : i32
    return %c0_i32, %c0_i32_0 : i32, i32
  }
  func.func @transform_6(%arg0: i32) -> (i32, i32) {
    %c0_i32 = arith.constant 0 : i32
    %c0_i32_0 = arith.constant 0 : i32
    return %arg0, %c0_i32 : i32, i32
  }
  func.func @transform_7(%arg0: i32) -> (i32, i32) {
    %c0_i32 = arith.constant 0 : i32
    %c0_i32_0 = arith.constant 0 : i32
    return %arg0, %c0_i32 : i32, i32
  }
}

module attributes {stable_mosaic.version = 14 : i64} {
  func.func @_comb_body(%arg0: i32, %arg1: memref<2x400x128xf32, #tpu.memory_space<vmem>>, %arg2: memref<2x400x16xf32, #tpu.memory_space<vmem>>, %arg3: memref<400x128xf32, #tpu.memory_space<vmem>>, %arg4: memref<128x64xf32, #tpu.memory_space<vmem>>, %arg5: memref<128x64xf32, #tpu.memory_space<vmem>>, %arg6: memref<1x64xf32, #tpu.memory_space<vmem>>, %arg7: memref<400x64xf32, #tpu.memory_space<vmem>>, %arg8: memref<400x64xf32, #tpu.memory_space<vmem>>) attributes {dimension_semantics = [#tpu.dimension_semantics<arbitrary>], iteration_bounds = array<i64: 25>, scalar_prefetch = 0 : i64, scratch_operands = 0 : i64, tpu.core_type = #tpu.core_type<tc>, window_params = [{transform_indices = @transform_0, window_bounds = array<i64: 2, 400, 128>}, {transform_indices = @transform_1, window_bounds = array<i64: 2, 400, 16>}, {transform_indices = @transform_2, window_bounds = array<i64: 400, 128>}, {pipeline_mode = #tpu.pipeline_mode<synchronous>, transform_indices = @transform_3, window_bounds = array<i64: 128, 64>}, {pipeline_mode = #tpu.pipeline_mode<synchronous>, transform_indices = @transform_4, window_bounds = array<i64: 128, 64>}, {pipeline_mode = #tpu.pipeline_mode<synchronous>, transform_indices = @transform_5, window_bounds = array<i64: 1, 64>}, {transform_indices = @transform_6, window_bounds = array<i64: 400, 64>}, {transform_indices = @transform_7, window_bounds = array<i64: 400, 64>}]} {
    %get3A = arith.constant 0 : index
    %get3A_0 = arith.constant 0 : index
    %get3A_1 = arith.constant 0 : index
    %get3A_2 = vector.load %arg2[%get3A, %get3A_0, %get3A_1] : memref<2x400x16xf32, #tpu.memory_space<vmem>>, vector<1x400x1xf32>
    %get3A_3 = vector.shape_cast %get3A_2 : vector<1x400x1xf32> to vector<400x1xf32>
    %get3A_4 = arith.constant 1 : index
    %get3A_5 = arith.constant 0 : index
    %get3A_6 = arith.constant 0 : index
    %get3A_7 = vector.load %arg2[%get3A_4, %get3A_5, %get3A_6] : memref<2x400x16xf32, #tpu.memory_space<vmem>>, vector<1x400x1xf32>
    %get3A_8 = vector.shape_cast %get3A_7 : vector<1x400x1xf32> to vector<400x1xf32>
    %add3A = arith.addf %get3A_3, %get3A_8 : vector<400x1xf32>
    %max3A = arith.constant 1.000000e+00 : f32
    %max3A_9 = vector.broadcast %max3A : f32 to vector<400x1xf32>
    %max3A_10 = arith.maximumf %add3A, %max3A_9 : vector<400x1xf32>
    %div3A = arith.constant 1.000000e+00 : f32
    %div3A_11 = vector.broadcast %div3A : f32 to vector<400x1xf32>
    %div3A_12 = arith.divf %div3A_11, %max3A_10 : vector<400x1xf32>
    %get3A_13 = arith.constant 0 : index
    %get3A_14 = arith.constant 0 : index
    %get3A_15 = arith.constant 0 : index
    %get3A_16 = vector.load %arg1[%get3A_13, %get3A_14, %get3A_15] : memref<2x400x128xf32, #tpu.memory_space<vmem>>, vector<1x400x128xf32>
    %get3A_17 = vector.shape_cast %get3A_16 : vector<1x400x128xf32> to vector<400x128xf32>
    %get3A_18 = arith.constant 1 : index
    %get3A_19 = arith.constant 0 : index
    %get3A_20 = arith.constant 0 : index
    %get3A_21 = vector.load %arg1[%get3A_18, %get3A_19, %get3A_20] : memref<2x400x128xf32, #tpu.memory_space<vmem>>, vector<1x400x128xf32>
    %get3A_22 = vector.shape_cast %get3A_21 : vector<1x400x128xf32> to vector<400x128xf32>
    %add3A_23 = arith.addf %get3A_17, %get3A_22 : vector<400x128xf32>
    %mul3A = vector.broadcast %div3A_12 : vector<400x1xf32> to vector<400x128xf32>
    %mul3A_24 = arith.mulf %add3A_23, %mul3A : vector<400x128xf32>
    %get3A_25 = arith.constant 0 : index
    %get3A_26 = arith.constant 0 : index
    %get3A_27 = vector.load %arg3[%get3A_25, %get3A_26] : memref<400x128xf32, #tpu.memory_space<vmem>>, vector<400x128xf32>
    %add3A_28 = arith.addf %mul3A_24, %get3A_27 : vector<400x128xf32>
    %max3A_29 = arith.constant 0.000000e+00 : f32
    %max3A_30 = vector.broadcast %max3A_29 : f32 to vector<400x128xf32>
    %max3A_31 = arith.maximumf %add3A_28, %max3A_30 : vector<400x128xf32>
    %get3A_32 = arith.constant 0 : index
    %get3A_33 = arith.constant 0 : index
    %get3A_34 = vector.load %arg4[%get3A_32, %get3A_33] : memref<128x64xf32, #tpu.memory_space<vmem>>, vector<128x64xf32>
    %dot_general3A = arith.constant dense<0.000000e+00> : vector<400x64xf32>
    %dot_general3A_35 = tpu.matmul %max3A_31, %get3A_34, %dot_general3A {dimension_numbers = #tpu.dot_dimension_numbers<[1], [0], [0], [1], [0, 0, 1, 1], [], []>, transpose_lhs_hint = false} : vector<400x128xf32>, vector<128x64xf32>, vector<400x64xf32> -> vector<400x64xf32>
    %swap3A = arith.constant 0 : index
    %swap3A_36 = arith.constant 0 : index
    %swap3A_37 = vector.load %arg7[%swap3A, %swap3A_36] : memref<400x64xf32, #tpu.memory_space<vmem>>, vector<400x64xf32>
    tpu.vector_store %arg7[%swap3A, %swap3A_36], %dot_general3A_35 {strides = array<i32>} : memref<400x64xf32, #tpu.memory_space<vmem>>, vector<400x64xf32>,
    %get3A_38 = arith.constant 0 : index
    %get3A_39 = arith.constant 0 : index
    %get3A_40 = vector.load %arg5[%get3A_38, %get3A_39] : memref<128x64xf32, #tpu.memory_space<vmem>>, vector<128x64xf32>
    %dot_general3A_41 = arith.constant dense<0.000000e+00> : vector<400x64xf32>
    %dot_general3A_42 = tpu.matmul %max3A_31, %get3A_40, %dot_general3A_41 {dimension_numbers = #tpu.dot_dimension_numbers<[1], [0], [0], [1], [0, 0, 1, 1], [], []>, transpose_lhs_hint = false} : vector<400x128xf32>, vector<128x64xf32>, vector<400x64xf32> -> vector<400x64xf32>
    %get3A_43 = arith.constant 0 : index
    %get3A_44 = arith.constant 0 : index
    %get3A_45 = vector.load %arg6[%get3A_43, %get3A_44] : memref<1x64xf32, #tpu.memory_space<vmem>>, vector<1x64xf32>
    %add3A_46 = vector.broadcast %get3A_45 : vector<1x64xf32> to vector<400x64xf32>
    %add3A_47 = arith.addf %dot_general3A_42, %add3A_46 : vector<400x64xf32>
    %swap3A_48 = arith.constant 0 : index
    %swap3A_49 = arith.constant 0 : index
    %swap3A_50 = vector.load %arg8[%swap3A_48, %swap3A_49] : memref<400x64xf32, #tpu.memory_space<vmem>>, vector<400x64xf32>
    tpu.vector_store %arg8[%swap3A_48, %swap3A_49], %add3A_47 {strides = array<i32>} : memref<400x64xf32, #tpu.memory_space<vmem>>, vector<400x64xf32>,
    return
  }
  func.func @transform_0(%arg0: i32) -> (i32, i32, i32) {
    %c0_i32 = arith.constant 0 : i32
    %c0_i32_0 = arith.constant 0 : i32
    %c0_i32_1 = arith.constant 0 : i32
    return %c0_i32, %arg0, %c0_i32_0 : i32, i32, i32
  }
  func.func @transform_1(%arg0: i32) -> (i32, i32, i32) {
    %c0_i32 = arith.constant 0 : i32
    %c0_i32_0 = arith.constant 0 : i32
    %c0_i32_1 = arith.constant 0 : i32
    return %c0_i32, %arg0, %c0_i32_0 : i32, i32, i32
  }
  func.func @transform_2(%arg0: i32) -> (i32, i32) {
    %c0_i32 = arith.constant 0 : i32
    %c0_i32_0 = arith.constant 0 : i32
    return %arg0, %c0_i32 : i32, i32
  }
  func.func @transform_3(%arg0: i32) -> (i32, i32) {
    %c0_i32 = arith.constant 0 : i32
    %c0_i32_0 = arith.constant 0 : i32
    %c0_i32_1 = arith.constant 0 : i32
    return %c0_i32, %c0_i32_0 : i32, i32
  }
  func.func @transform_4(%arg0: i32) -> (i32, i32) {
    %c0_i32 = arith.constant 0 : i32
    %c0_i32_0 = arith.constant 0 : i32
    %c0_i32_1 = arith.constant 0 : i32
    return %c0_i32, %c0_i32_0 : i32, i32
  }
  func.func @transform_5(%arg0: i32) -> (i32, i32) {
    %c0_i32 = arith.constant 0 : i32
    %c0_i32_0 = arith.constant 0 : i32
    %c0_i32_1 = arith.constant 0 : i32
    return %c0_i32, %c0_i32_0 : i32, i32
  }
  func.func @transform_6(%arg0: i32) -> (i32, i32) {
    %c0_i32 = arith.constant 0 : i32
    %c0_i32_0 = arith.constant 0 : i32
    return %arg0, %c0_i32 : i32, i32
  }
  func.func @transform_7(%arg0: i32) -> (i32, i32) {
    %c0_i32 = arith.constant 0 : i32
    %c0_i32_0 = arith.constant 0 : i32
    return %arg0, %c0_i32 : i32, i32
  }
}

module attributes {stable_mosaic.version = 14 : i64} {
  func.func @_comb_body(%arg0: i32, %arg1: memref<2x400x64xf32, #tpu.memory_space<vmem>>, %arg2: memref<2x400x16xf32, #tpu.memory_space<vmem>>, %arg3: memref<400x64xf32, #tpu.memory_space<vmem>>, %arg4: memref<64x64xf32, #tpu.memory_space<vmem>>, %arg5: memref<64x64xf32, #tpu.memory_space<vmem>>, %arg6: memref<1x64xf32, #tpu.memory_space<vmem>>, %arg7: memref<400x64xf32, #tpu.memory_space<vmem>>, %arg8: memref<400x64xf32, #tpu.memory_space<vmem>>) attributes {dimension_semantics = [#tpu.dimension_semantics<arbitrary>], iteration_bounds = array<i64: 25>, scalar_prefetch = 0 : i64, scratch_operands = 0 : i64, tpu.core_type = #tpu.core_type<tc>, window_params = [{transform_indices = @transform_0, window_bounds = array<i64: 2, 400, 64>}, {transform_indices = @transform_1, window_bounds = array<i64: 2, 400, 16>}, {transform_indices = @transform_2, window_bounds = array<i64: 400, 64>}, {pipeline_mode = #tpu.pipeline_mode<synchronous>, transform_indices = @transform_3, window_bounds = array<i64: 64, 64>}, {pipeline_mode = #tpu.pipeline_mode<synchronous>, transform_indices = @transform_4, window_bounds = array<i64: 64, 64>}, {pipeline_mode = #tpu.pipeline_mode<synchronous>, transform_indices = @transform_5, window_bounds = array<i64: 1, 64>}, {transform_indices = @transform_6, window_bounds = array<i64: 400, 64>}, {transform_indices = @transform_7, window_bounds = array<i64: 400, 64>}]} {
    %get3A = arith.constant 0 : index
    %get3A_0 = arith.constant 0 : index
    %get3A_1 = arith.constant 0 : index
    %get3A_2 = vector.load %arg2[%get3A, %get3A_0, %get3A_1] : memref<2x400x16xf32, #tpu.memory_space<vmem>>, vector<1x400x1xf32>
    %get3A_3 = vector.shape_cast %get3A_2 : vector<1x400x1xf32> to vector<400x1xf32>
    %get3A_4 = arith.constant 1 : index
    %get3A_5 = arith.constant 0 : index
    %get3A_6 = arith.constant 0 : index
    %get3A_7 = vector.load %arg2[%get3A_4, %get3A_5, %get3A_6] : memref<2x400x16xf32, #tpu.memory_space<vmem>>, vector<1x400x1xf32>
    %get3A_8 = vector.shape_cast %get3A_7 : vector<1x400x1xf32> to vector<400x1xf32>
    %add3A = arith.addf %get3A_3, %get3A_8 : vector<400x1xf32>
    %max3A = arith.constant 1.000000e+00 : f32
    %max3A_9 = vector.broadcast %max3A : f32 to vector<400x1xf32>
    %max3A_10 = arith.maximumf %add3A, %max3A_9 : vector<400x1xf32>
    %div3A = arith.constant 1.000000e+00 : f32
    %div3A_11 = vector.broadcast %div3A : f32 to vector<400x1xf32>
    %div3A_12 = arith.divf %div3A_11, %max3A_10 : vector<400x1xf32>
    %get3A_13 = arith.constant 0 : index
    %get3A_14 = arith.constant 0 : index
    %get3A_15 = arith.constant 0 : index
    %get3A_16 = vector.load %arg1[%get3A_13, %get3A_14, %get3A_15] : memref<2x400x64xf32, #tpu.memory_space<vmem>>, vector<1x400x64xf32>
    %get3A_17 = vector.shape_cast %get3A_16 : vector<1x400x64xf32> to vector<400x64xf32>
    %get3A_18 = arith.constant 1 : index
    %get3A_19 = arith.constant 0 : index
    %get3A_20 = arith.constant 0 : index
    %get3A_21 = vector.load %arg1[%get3A_18, %get3A_19, %get3A_20] : memref<2x400x64xf32, #tpu.memory_space<vmem>>, vector<1x400x64xf32>
    %get3A_22 = vector.shape_cast %get3A_21 : vector<1x400x64xf32> to vector<400x64xf32>
    %add3A_23 = arith.addf %get3A_17, %get3A_22 : vector<400x64xf32>
    %mul3A = vector.broadcast %div3A_12 : vector<400x1xf32> to vector<400x64xf32>
    %mul3A_24 = arith.mulf %add3A_23, %mul3A : vector<400x64xf32>
    %get3A_25 = arith.constant 0 : index
    %get3A_26 = arith.constant 0 : index
    %get3A_27 = vector.load %arg3[%get3A_25, %get3A_26] : memref<400x64xf32, #tpu.memory_space<vmem>>, vector<400x64xf32>
    %add3A_28 = arith.addf %mul3A_24, %get3A_27 : vector<400x64xf32>
    %max3A_29 = arith.constant 0.000000e+00 : f32
    %max3A_30 = vector.broadcast %max3A_29 : f32 to vector<400x64xf32>
    %max3A_31 = arith.maximumf %add3A_28, %max3A_30 : vector<400x64xf32>
    %get3A_32 = arith.constant 0 : index
    %get3A_33 = arith.constant 0 : index
    %get3A_34 = vector.load %arg4[%get3A_32, %get3A_33] : memref<64x64xf32, #tpu.memory_space<vmem>>, vector<64x64xf32>
    %dot_general3A = arith.constant dense<0.000000e+00> : vector<400x64xf32>
    %dot_general3A_35 = tpu.matmul %max3A_31, %get3A_34, %dot_general3A {dimension_numbers = #tpu.dot_dimension_numbers<[1], [0], [0], [1], [0, 0, 1, 1], [], []>, transpose_lhs_hint = false} : vector<400x64xf32>, vector<64x64xf32>, vector<400x64xf32> -> vector<400x64xf32>
    %swap3A = arith.constant 0 : index
    %swap3A_36 = arith.constant 0 : index
    %swap3A_37 = vector.load %arg7[%swap3A, %swap3A_36] : memref<400x64xf32, #tpu.memory_space<vmem>>, vector<400x64xf32>
    tpu.vector_store %arg7[%swap3A, %swap3A_36], %dot_general3A_35 {strides = array<i32>} : memref<400x64xf32, #tpu.memory_space<vmem>>, vector<400x64xf32>,
    %get3A_38 = arith.constant 0 : index
    %get3A_39 = arith.constant 0 : index
    %get3A_40 = vector.load %arg5[%get3A_38, %get3A_39] : memref<64x64xf32, #tpu.memory_space<vmem>>, vector<64x64xf32>
    %dot_general3A_41 = arith.constant dense<0.000000e+00> : vector<400x64xf32>
    %dot_general3A_42 = tpu.matmul %max3A_31, %get3A_40, %dot_general3A_41 {dimension_numbers = #tpu.dot_dimension_numbers<[1], [0], [0], [1], [0, 0, 1, 1], [], []>, transpose_lhs_hint = false} : vector<400x64xf32>, vector<64x64xf32>, vector<400x64xf32> -> vector<400x64xf32>
    %get3A_43 = arith.constant 0 : index
    %get3A_44 = arith.constant 0 : index
    %get3A_45 = vector.load %arg6[%get3A_43, %get3A_44] : memref<1x64xf32, #tpu.memory_space<vmem>>, vector<1x64xf32>
    %add3A_46 = vector.broadcast %get3A_45 : vector<1x64xf32> to vector<400x64xf32>
    %add3A_47 = arith.addf %dot_general3A_42, %add3A_46 : vector<400x64xf32>
    %swap3A_48 = arith.constant 0 : index
    %swap3A_49 = arith.constant 0 : index
    %swap3A_50 = vector.load %arg8[%swap3A_48, %swap3A_49] : memref<400x64xf32, #tpu.memory_space<vmem>>, vector<400x64xf32>
    tpu.vector_store %arg8[%swap3A_48, %swap3A_49], %add3A_47 {strides = array<i32>} : memref<400x64xf32, #tpu.memory_space<vmem>>, vector<400x64xf32>,
    return
  }
  func.func @transform_0(%arg0: i32) -> (i32, i32, i32) {
    %c0_i32 = arith.constant 0 : i32
    %c0_i32_0 = arith.constant 0 : i32
    %c0_i32_1 = arith.constant 0 : i32
    return %c0_i32, %arg0, %c0_i32_0 : i32, i32, i32
  }
  func.func @transform_1(%arg0: i32) -> (i32, i32, i32) {
    %c0_i32 = arith.constant 0 : i32
    %c0_i32_0 = arith.constant 0 : i32
    %c0_i32_1 = arith.constant 0 : i32
    return %c0_i32, %arg0, %c0_i32_0 : i32, i32, i32
  }
  func.func @transform_2(%arg0: i32) -> (i32, i32) {
    %c0_i32 = arith.constant 0 : i32
    %c0_i32_0 = arith.constant 0 : i32
    return %arg0, %c0_i32 : i32, i32
  }
  func.func @transform_3(%arg0: i32) -> (i32, i32) {
    %c0_i32 = arith.constant 0 : i32
    %c0_i32_0 = arith.constant 0 : i32
    %c0_i32_1 = arith.constant 0 : i32
    return %c0_i32, %c0_i32_0 : i32, i32
  }
  func.func @transform_4(%arg0: i32) -> (i32, i32) {
    %c0_i32 = arith.constant 0 : i32
    %c0_i32_0 = arith.constant 0 : i32
    %c0_i32_1 = arith.constant 0 : i32
    return %c0_i32, %c0_i32_0 : i32, i32
  }
  func.func @transform_5(%arg0: i32) -> (i32, i32) {
    %c0_i32 = arith.constant 0 : i32
    %c0_i32_0 = arith.constant 0 : i32
    %c0_i32_1 = arith.constant 0 : i32
    return %c0_i32, %c0_i32_0 : i32, i32
  }
  func.func @transform_6(%arg0: i32) -> (i32, i32) {
    %c0_i32 = arith.constant 0 : i32
    %c0_i32_0 = arith.constant 0 : i32
    return %arg0, %c0_i32 : i32, i32
  }
  func.func @transform_7(%arg0: i32) -> (i32, i32) {
    %c0_i32 = arith.constant 0 : i32
    %c0_i32_0 = arith.constant 0 : i32
    return %arg0, %c0_i32 : i32, i32
  }
}

module attributes {stable_mosaic.version = 14 : i64} {
  func.func @_final_body(%arg0: i32, %arg1: memref<2x400x64xf32, #tpu.memory_space<vmem>>, %arg2: memref<2x400x16xf32, #tpu.memory_space<vmem>>, %arg3: memref<400x64xf32, #tpu.memory_space<vmem>>, %arg4: memref<400x64xf32, #tpu.memory_space<vmem>>) attributes {dimension_semantics = [#tpu.dimension_semantics<arbitrary>], iteration_bounds = array<i64: 25>, scalar_prefetch = 0 : i64, scratch_operands = 0 : i64, tpu.core_type = #tpu.core_type<tc>, window_params = [{transform_indices = @transform_0, window_bounds = array<i64: 2, 400, 64>}, {transform_indices = @transform_1, window_bounds = array<i64: 2, 400, 16>}, {transform_indices = @transform_2, window_bounds = array<i64: 400, 64>}, {transform_indices = @transform_3, window_bounds = array<i64: 400, 64>}]} {
    %get3A = arith.constant 0 : index
    %get3A_0 = arith.constant 0 : index
    %get3A_1 = arith.constant 0 : index
    %get3A_2 = vector.load %arg2[%get3A, %get3A_0, %get3A_1] : memref<2x400x16xf32, #tpu.memory_space<vmem>>, vector<1x400x1xf32>
    %get3A_3 = vector.shape_cast %get3A_2 : vector<1x400x1xf32> to vector<400x1xf32>
    %get3A_4 = arith.constant 1 : index
    %get3A_5 = arith.constant 0 : index
    %get3A_6 = arith.constant 0 : index
    %get3A_7 = vector.load %arg2[%get3A_4, %get3A_5, %get3A_6] : memref<2x400x16xf32, #tpu.memory_space<vmem>>, vector<1x400x1xf32>
    %get3A_8 = vector.shape_cast %get3A_7 : vector<1x400x1xf32> to vector<400x1xf32>
    %add3A = arith.addf %get3A_3, %get3A_8 : vector<400x1xf32>
    %max3A = arith.constant 1.000000e+00 : f32
    %max3A_9 = vector.broadcast %max3A : f32 to vector<400x1xf32>
    %max3A_10 = arith.maximumf %add3A, %max3A_9 : vector<400x1xf32>
    %div3A = arith.constant 1.000000e+00 : f32
    %div3A_11 = vector.broadcast %div3A : f32 to vector<400x1xf32>
    %div3A_12 = arith.divf %div3A_11, %max3A_10 : vector<400x1xf32>
    %get3A_13 = arith.constant 0 : index
    %get3A_14 = arith.constant 0 : index
    %get3A_15 = arith.constant 0 : index
    %get3A_16 = vector.load %arg1[%get3A_13, %get3A_14, %get3A_15] : memref<2x400x64xf32, #tpu.memory_space<vmem>>, vector<1x400x64xf32>
    %get3A_17 = vector.shape_cast %get3A_16 : vector<1x400x64xf32> to vector<400x64xf32>
    %get3A_18 = arith.constant 1 : index
    %get3A_19 = arith.constant 0 : index
    %get3A_20 = arith.constant 0 : index
    %get3A_21 = vector.load %arg1[%get3A_18, %get3A_19, %get3A_20] : memref<2x400x64xf32, #tpu.memory_space<vmem>>, vector<1x400x64xf32>
    %get3A_22 = vector.shape_cast %get3A_21 : vector<1x400x64xf32> to vector<400x64xf32>
    %add3A_23 = arith.addf %get3A_17, %get3A_22 : vector<400x64xf32>
    %mul3A = vector.broadcast %div3A_12 : vector<400x1xf32> to vector<400x64xf32>
    %mul3A_24 = arith.mulf %add3A_23, %mul3A : vector<400x64xf32>
    %get3A_25 = arith.constant 0 : index
    %get3A_26 = arith.constant 0 : index
    %get3A_27 = vector.load %arg3[%get3A_25, %get3A_26] : memref<400x64xf32, #tpu.memory_space<vmem>>, vector<400x64xf32>
    %add3A_28 = arith.addf %mul3A_24, %get3A_27 : vector<400x64xf32>
    %reduce_max3A = arith.constant dense<0xFF800000> : vector<400xf32>
    %reduce_max3A_29 = vector.multi_reduction <maximumf>, %add3A_28, %reduce_max3A [1] : vector<400x64xf32> to vector<400xf32>
    %broadcast_in_dim3A = vector.shape_cast %reduce_max3A_29 : vector<400xf32> to vector<400x1xf32>
    %sub3A = vector.broadcast %broadcast_in_dim3A : vector<400x1xf32> to vector<400x64xf32>
    %sub3A_30 = arith.subf %add3A_28, %sub3A : vector<400x64xf32>
    %exp3A = math.exp %sub3A_30 : vector<400x64xf32>
    %reduce_sum3A = arith.constant dense<0.000000e+00> : vector<400xf32>
    %reduce_sum3A_31 = vector.multi_reduction <add>, %exp3A, %reduce_sum3A [1] : vector<400x64xf32> to vector<400xf32>
    %broadcast_in_dim3A_32 = vector.shape_cast %reduce_sum3A_31 : vector<400xf32> to vector<400x1xf32>
    %log3A = math.log %broadcast_in_dim3A_32 : vector<400x1xf32>
    %add3A_33 = arith.addf %log3A, %broadcast_in_dim3A : vector<400x1xf32>
    %sub3A_34 = vector.broadcast %add3A_33 : vector<400x1xf32> to vector<400x64xf32>
    %sub3A_35 = arith.subf %add3A_28, %sub3A_34 : vector<400x64xf32>
    %swap3A = arith.constant 0 : index
    %swap3A_36 = arith.constant 0 : index
    %swap3A_37 = vector.load %arg4[%swap3A, %swap3A_36] : memref<400x64xf32, #tpu.memory_space<vmem>>, vector<400x64xf32>
    tpu.vector_store %arg4[%swap3A, %swap3A_36], %sub3A_35 {strides = array<i32>} : memref<400x64xf32, #tpu.memory_space<vmem>>, vector<400x64xf32>,
    return
  }
  func.func @transform_0(%arg0: i32) -> (i32, i32, i32) {
    %c0_i32 = arith.constant 0 : i32
    %c0_i32_0 = arith.constant 0 : i32
    %c0_i32_1 = arith.constant 0 : i32
    return %c0_i32, %arg0, %c0_i32_0 : i32, i32, i32
  }
  func.func @transform_1(%arg0: i32) -> (i32, i32, i32) {
    %c0_i32 = arith.constant 0 : i32
    %c0_i32_0 = arith.constant 0 : i32
    %c0_i32_1 = arith.constant 0 : i32
    return %c0_i32, %arg0, %c0_i32_0 : i32, i32, i32
  }
  func.func @transform_2(%arg0: i32) -> (i32, i32) {
    %c0_i32 = arith.constant 0 : i32
    %c0_i32_0 = arith.constant 0 : i32
    return %arg0, %c0_i32 : i32, i32
  }
  func.func @transform_3(%arg0: i32) -> (i32, i32) {
    %c0_i32 = arith.constant 0 : i32
    %c0_i32_0 = arith.constant 0 : i32
    return %arg0, %c0_i32 : i32, i32
  }
}

</mosaic_0001>

<sc_bundles>
// kernel: kernel.11.cloned.1.call-start
scs
__scs_entry_jumppad:
0x0: {  	(pc) =	sbr.rel $0x88, $3  }
0x1: {  	(tag) =	ssettag $0x0;
	lr =	simm.s32 $0x1  }
0x2: {  	[smem:$0x3F93] =	sst lr;
	_ =	strace $0xD0000000  }
0x3: {  	_ = 	snop  }
0x4: {  	_ = 	snop  }
0x5: {  	_ = 	snop  }
0x6: {  	_ = 	snop  }
0x7: {  	_ = 	snop  }
__scs_overlays_trampoline_lowered:
0x8: {  	[smem:$0x3FA2] =	sst s0  }
0x9: {  	[smem:$0x3FA3] =	sst s1  }
0xa: {  	[smem:$0x3FA4] =	sst s2  }
0xb: {  	[smem:$0x3FA5] =	sst s3  }
0xc: {  	[smem:$0x3FA6] =	sst s4  }
0xd: {  	[smem:$0x3FA7] =	sst s5  }
0xe: {  	[smem:$0x3FA8] =	sst s6  }
0xf: {  	[smem:$0x3FA9] =	sst s7  }
0x10: {  	[smem:$0x3FAA] =	sst s8  }
0x11: {  	[smem:$0x3FAB] =	sst s9;
	s0 =	simm.s32 @!p0 $0x0  }
0x12: {  	s1 =	sld [smem:$0x3F91];
	s0 =	simm.s32 @p0 $0x1  }
0x13: {  	[smem:$0x3FAC] =	sst s0;
	s0 =	simm.s32 @!p1 $0x0  }
0x14: {  	s2 =	sld [smem:$0x3F90];
	s0 =	simm.s32 @p1 $0x1  }
0x15: {  	[smem:$0x3FAD] =	sst s0;
	s0 =	simm.s32 @!p2 $0x0  }
0x16: {  	s3 =	sld [smem:$0x3FDB];
	s0 =	simm.s32 @p2 $0x1  }
0x17: {  	s4 =	simm.s32 $0x1BF5;
	[smem:$0x3FAF] =	sst s0  }
0x18: {  	s0 =	sld [smem:$0x3F92];
	_ =	swait.ge [sflag:s4], $0x0  }
0x19: {  	s7 =	sld [smem:$0x3F93]  }
0x1a: {  	s8 =	sadd.s32 $0xFFFFE003, lr  }
0x1b: {  	s9 =	sadd.s32 $0xFFFFFEF7, lr;
	s5 =	simm.s32 $0xFFFFFFFF;
	p2 =	slt.u32 s8, $0xFFFFF086  }
0x1c: {  	p1 =	slt.u32 s9, $0xF7A;
	s5 =	simm.s32 @!p2 $0x0  }
0x1d: {  	s5 =	simm.s32 @p1 $0x1;
	p0 =	seq.s32 s7, s2  }
0x1e: {  	s7 =	smul.u32 @!p0 $0xF7A, s2;
	p2 =	seq.s32 @!p0 s5, $0x0  }
0x1f: {  	s9 =	smul.u32 $0xF7A, s1;
	s8 =	simm.s32 @!p0 $0x1BF5;
	p2 =	por !p2, p0  }
0x20: {  	[sflag:s8] =	ssyncset.s32 @!p0 $0xFFFFF086;
	s6 =	sadd.s32 @!p0 s3, s7;
	s7 =	simm.s32 @!p0 $0x108  }
0x21: {  	s3 =	sadd.s32 s3, s9;
	s6 =	sadd.s32 @!p0 $0x88, s6;
	s7 =	simm.s32 @p2 $0x1082  }
0x22: {  	[simem:s7], [sflag:s8] =	dma.local @!p0 [hbm:s6], $0xF7A  }
0x23: {  	s9 =	sor.u32 $0xD0000000, s2;
	s6 =	simm.s32 $0x108;
	_ =	swait.ge @!p0 [sflag:s8], $0x0  }
0x24: {  	s3 =	sadd.s32 $0x88, s3;
	s6 =	simm.s32 @!p1 $0x1082;
	[sflag:s4] =	ssyncset.s32 $0xFFFFF086  }
0x25: {  	[simem:s6], [sflag:s4] =	dma.local [hbm:s3], $0xF7A  }
0x26: {  	[smem:$0x3F93] =	sst s1;
	(tag) =	ssettag s2;
	_ =	strace s9  }
0x27: {  	s1 =	sld [smem:$0x3FA3]  }
0x28: {  	s2 =	sld [smem:$0x3FA4]  }
0x29: {  	s4 =	sld [smem:$0x3FA6]  }
0x2a: {  	p0 =	seq.s32 s5, $0x0;
	s5 =	sld [smem:$0x3FA7]  }
0x2b: {  	s6 =	sld [smem:$0x3FA8]  }
0x2c: {  	s7 =	sld [smem:$0x3FA9]  }
0x2d: {  	s3 =	simm.s32 $0x108;
	s8 =	sld [smem:$0x3FAA]  }
0x2e: {  	s3 =	simm.s32 @!p0 $0x1082;
	s9 =	sld [smem:$0x3FAB]  }
0x2f: {  	lr =	sadd.s32 s0, s3;
	s0 =	sld [smem:$0x3FA2]  }
0x30: {  	s3 =	sld [smem:$0x3FA5]  }
0x31: {  	[smem:$0x3FAE] =	sst s10  }
0x32: {  	s10 =	sld [smem:$0x3FAC];
	_ =	sdelay $0x3  }
0x33: {  	p0 =	seq.s32 s10, $0x1;
	s10 =	sld [smem:$0x3FAE];
	_ =	sdelay $0x3  }
0x34: {  	[smem:$0x3FAE] =	sst s10  }
0x35: {  	s10 =	sld [smem:$0x3FAD];
	_ =	sdelay $0x3  }
0x36: {  	p1 =	seq.s32 s10, $0x1;
	s10 =	sld [smem:$0x3FAE];
	_ =	sdelay $0x3  }
0x37: {  	[smem:$0x3FAE] =	sst s10  }
0x38: {  	s10 =	sld [smem:$0x3FAF]  }
0x39: {  	_ = 	snop;
	(pc) =	sbr.ind lr, $3  }
0x3a: {  	_ = 	snop  }
0x3b: {  	_ = 	snop  }
0x3c: {  	p2 =	seq.s32 s10, $0x1;
	s10 =	sld [smem:$0x3FAE]  }
0x3d: {  	_ =	shalt  }
0x3e: {  	_ =	shalt  }
0x3f: {  	_ =	shalt  }
0x40: {  	_ =	shalt  }
0x41: {  	_ =	shalt  }
0x42: {  	_ =	shalt  }
0x43: {  	_ =	shalt  }
0x44: {  	_ =	shalt  }
0x45: {  	_ =	shalt  }
0x46: {  	_ =	shalt  }
0x47: {  	_ =	shalt  }
0x48: {  	_ =	shalt  }
0x49: {  	_ =	shalt  }
0x4a: {  	_ =	shalt  }
0x4b: {  	_ =	shalt  }
0x4c: {  	_ =	shalt  }
0x4d: {  	_ =	shalt  }
0x4e: {  	_ =	shalt  }
0x4f: {  	_ =	shalt  }
0x50: {  	_ =	shalt  }
0x51: {  	_ =	shalt  }
0x52: {  	_ =	shalt  }
0x53: {  	_ =	shalt  }
0x54: {  	_ =	shalt  }
0x55: {  	_ =	shalt  }
0x56: {  	_ =	shalt  }
0x57: {  	_ =	shalt  }
0x58: {  	_ =	shalt  }
0x59: {  	_ =	shalt  }
0x5a: {  	_ =	shalt  }
0x5b: {  	_ =	shalt  }
0x5c: {  	_ =	shalt  }
0x5d: {  	_ =	shalt  }
0x5e: {  	_ =	shalt  }
0x5f: {  	_ =	shalt  }
0x60: {  	_ =	shalt  }
0x61: {  	_ =	shalt  }
0x62: {  	_ =	shalt  }
0x63: {  	_ =	shalt  }
0x64: {  	_ =	shalt  }
0x65: {  	_ =	shalt  }
0x66: {  	_ =	shalt  }
0x67: {  	_ =	shalt  }
0x68: {  	_ =	shalt  }
0x69: {  	_ =	shalt  }
0x6a: {  	_ =	shalt  }
0x6b: {  	_ =	shalt  }
0x6c: {  	_ =	shalt  }
0x6d: {  	_ =	shalt  }
0x6e: {  	_ =	shalt  }
0x6f: {  	_ =	shalt  }
0x70: {  	_ =	shalt  }
0x71: {  	_ =	shalt  }
0x72: {  	_ =	shalt  }
0x73: {  	_ =	shalt  }
0x74: {  	_ =	shalt  }
0x75: {  	_ =	shalt  }
0x76: {  	_ =	shalt  }
0x77: {  	_ =	shalt  }
0x78: {  	_ =	shalt  }
0x79: {  	_ =	shalt  }
0x7a: {  	_ =	shalt  }
0x7b: {  	_ =	shalt  }
0x7c: {  	_ =	shalt  }
0x7d: {  	_ =	shalt  }
0x7e: {  	_ =	shalt  }
0x7f: {  	_ =	shalt  }
0x80: {  	_ =	shalt  }
0x81: {  	_ =	shalt  }
0x82: {  	_ =	shalt  }
0x83: {  	_ =	shalt  }
0x84: {  	_ =	shalt  }
0x85: {  	_ =	shalt  }
0x86: {  	_ =	shalt  }
0x87: {  	_ =	shalt  }
.Lfunc_end0:
.L_simem_size_0:
called_computation_lowered:
.L_overlay_start_0:
0x88: {  	s2 =	sld [smem:$0x3FD9]  }
0x89: {  	s3 =	sld [smem:$0x3FFE];
	_ =	sdelay $0x1  }
0x8a: {  	s1 =	srdreg.scid  }
0x8b: {  	s0 =	sand.u32 $0x1, s1  }
0x8c: {  	s17 =	sshll.u32 s0, $0xA;
	s2 =	sadd.s32 s3, s2  }
0x8d: {  	s2 =	sadd.s32 s2, s17  }
0x8e: {  	[smem:$0x3FBA] =	sst s2  }
0x8f: {  	_ = 	snop  }
0x90: {  	s2 =	sld [smem:$0x3FD0];
	(tm) =	ssettm $0x1  }
0x91: {  	s18 =	sld [smem:$0x3FFB];
	_ =	sdelay $0x3  }
0x92: {  	_ =	strace s18  }
0x93: {  	s3 =	sld [smem:$0x3FFC];
	_ =	sdelay $0x3  }
0x94: {  	_ =	strace s3  }
0x95: {  	s3 =	sld [smem:$0x3FFD];
	_ =	sdelay $0x3  }
0x96: {  	_ =	strace s3  }
0x97: {  	_ =	strace $0x8FFFFFFF  }
0x98: {  	s19 =	sld [smem:$0x3FDB];
	_ =	sdelay $0x1  }
0x99: {  	s4 =	simm.s32 $_scs_section_size  }
0x9a: {  	s5 =	simm.s32 $_size__tile_overlayer_lowered;
	s6 =	simm.s32 $_tile_overlayer_lowered  }
0x9b: {  	s22 =	simm.s32 $0x1BFF;
	s21 =	sshll.u32 s6, $0x1;
	s3 =	sadd.s32 s4, s19  }
0x9c: {  	s7 =	simm.s32 $0x0;
	s20 =	sshll.u32 s5, $0x1;
	s5 =	sadd.s32 s21, s3  }
0x9d: {  	[timem:s7], [sflag:s22] =	dma.local [hbm:s5], s20  }
0x9e: {  	_ =	swait.ge [sflag:s22], s20  }
0x9f: {  	s4 =	ssub.s32 $0x0, s20;
	[sflag:s22] =	ssyncset.done $0x0  }
0xa0: {  	[sflag:s22] =	ssyncadd.s32 s4;
	_ =	sdelay $0x1  }
0xa1: {  	s23 =	simm.s32 $0x1B8B  }
0xa2: {  	_ =	swait.ge [sflag:s23], $0x1  }
0xa3: {  	[sflag:s23] =	ssyncset.done $0x0  }
0xa4: {  	s25 =	simm.s32 $0x1B8E;
	s24 =	sld [smem:$0x3FFE];
	[sflag:s23] =	ssyncadd.s32 $0xFFFFFFFF  }
0xa5: {  	s26 =	simm.s32 $execute0_lowered;
	[smem:$0x3FD2] =	sst s25  }
0xa6: {  	s5 =	sshll.u32 s26, $0x1;
	_ =	strace $0x80000046;
	[dreg:$0x1] =	wrdreg $0xFFFFFFFF  }
0xa7: {  	s28 =	simm.s32 $_size_execute0_lowered;
	s3 =	sadd.s32 s3, s5;
	[dreg:$0x0] =	wrdreg $0x0  }
0xa8: {  	s5 =	sshll.u32 s28, $0x1;
	[dreg:$0x2] =	wrdreg s3  }
0xa9: {  	[dreg:$0x3] =	wrdreg s5  }
0xaa: {  	[dreg:$0x4] =	wrdreg $0xC0  }
0xab: {  	_ =	task [dreg:s7], $0x5FFFF  }
0xac: {  	[dreg:$0x1] =	wrdreg $0xFFFFFFFF  }
0xad: {  	[dreg:$0x0] =	wrdreg $0x60  }
0xae: {  	[dreg:$0x2] =	wrdreg s24  }
0xaf: {  	[dreg:$0x3] =	wrdreg s2  }
0xb0: {  	[dreg:$0x4] =	wrdreg $0x41000  }
0xb1: {  	[dreg:$0x5] =	wrdreg $0x189000  }
0xb2: {  	[dreg:$0x6] =	wrdreg $0x9  }
0xb3: {  	_ =	task.clear_ibuf [dreg:s7], $0x7FFFF;
	_ =	strace $0x90000046  }
0xb4: {  	s29 =	simm.s32 $0x9;
	_ =	strace $0x80000048  }
0xb5: {  	_ =	swait.ge [sflag:s29], $0x1  }
0xb6: {  	[sflag:s29] =	ssyncadd.s32 $0xFFFFFFFF  }
0xb7: {  	_ =	strace $0x90000048  }
0xb8: {  	_ =	sfence  }
0xb9: {  	s30 =	sld [smem:$0x0];
	_ =	sdelay $0x2  }
0xba: {  	s31 =	sshll.u32 s1, $0xD;
	s1 =	sshrl.u32 s1, $0x2  }
0xbb: {  	s3 =	sand.u32 $0x4000, s31;
	s1 =	sadd.s32 s1, s30  }
0xbc: {  	s0 =	sor.u32 s3, s0;
	s1 =	sshll.u32 s1, $0x11  }
0xbd: {  	s0 =	sor.u32 s1, s0  }
0xbe: {  	s0 =	sadd.s32 $0x8F2B, s0  }
0xbf: {  	[sflag:s0] =	ssyncadd.remote.s32 $0x1  }
0xc0: {  	_ =	sfence.sel $0xFFFF  }
0xc1: {  	[dreg:$0x0] =	wrdreg $0xFFFFFFFF;
	(pc) =	sbr.abs _section_cstart, $3  }
0xc2: {  	[dreg:$0x1] =	wrdreg $0xFFFFFFFF  }
0xc3: {  	_ =	task.clear_ibuf [dreg:s7], $0x2FFFF;
	_ =	strace $0x9FFFFFFF  }
0xc4: {  	(tm) =	ssettm $0x7FFFFFFF  }
0xc5: {  	_ =	shalt  }
tec
execute0_lowered:
.L_overlay_start_1:
0x0: {  	(tag) =	ssettag $0x1  }
0x1: {  	s9 =	rddreg [dreg:$0x0]  }
0x2: {  	s13 =	rddreg [dreg:$0x1]  }
0x3: {  	s0 =	srdreg.scid;
	s2 =	rddreg [dreg:$0x2]  }
0x4: {  	s3 =	rddreg [dreg:$0x3];
	s10 =	sand.u32 $0x1, s0  }
0x5: {  	s0 =	stileid.u32;
	s4 =	smul.u32 $0xFFFF9C40, s10  }
0x6: {  	s1 =	rddreg [dreg:$0x4];
	s20 =	simm.s32 $0x18100;
	s5 =	smul.u32 $0x9C4, s0  }
0x7: {  	s21 =	simm.s32 $0x80;
	s22 =	simm.s32 $0x100;
	s11 =	smul.u32 $0x14000, s0  }
0x8: {  	s23 =	simm.s32 $0x1;
	s24 =	simm.s32 $0x0;
	s26 =	smul.u32 $0x140000, s10  }
0x9: {  	s28 =	ssub.s32 $0x2, s10;
	s15 =	sshll.u32 s10, $0x4;
	s17 =	smul.u32 $0x2800, s0  }
0xa: {  	s10 =	smul.u32 $0x28000, s10;
	s30 =	sshll.u32 s0, $0x6;
	s14 =	sshrl.u32 s28, $0x1  }
0xb: {  	s29 =	sor.u32 s0, s15;
	s6 =	sand.u32 $0xFFC0, s4;
	s4 =	simm.s32 $0x0  }
0xc: {  	s8 =	sadd.s32 s11, s26;
	s14 =	ssub.s32 s28, s14;
	s18 =	sadd.s32 s11, s2  }
0xd: {  	s15 =	smul.u32 $0x9C4, s29;
	s19 =	sadd.s32 s17, s3;
	s31 =	sadd.s32 s17, s10  }
0xe: {  	s5 =	sadd.s32 s5, s6;
	[smem:$0x7FF] =	sst s4;
	s6 =	sadd.s32 $0x3E200, s9  }
0xf: {  	s12 =	sshrl.u32 s8, $0x3;
	s8 =	sadd.s32 $0x41000, s9;
	s17 =	sshrl.u32 s31, $0x3  }
0x10: {  	s14 =	smax.u32 s14, $0x1;
	s19 =	sshrl.u32 s19, $0x3;
	s5 =	sshrl.u32 s5, $0x1  }
0x11: {  	_ =	strace $0x80000047;
	s12 =	sadd.s32 s12, s9;
	s10 =	sshrl.u32 s15, $0x5  }
.Ltmp0:
0x12: {  	s15 =	sadd.s32 $0x9C4, s15;
	s13 =	sadd.s32 s13, s17;
	(pc) =	sbr.rel .LBB2_1-.Ltmp0, $4  }
0x13: {  	s17 =	sshrl.u32 s18, $0x3;
	s18 =	simm.s32 $0x2;
	s7 =	sand.u32 $0xFFF0, s5  }
0x14: {  	s5 =	sadd.s32 $0x17000, s9;
	s11 =	sshrl.u32 s15, $0x5;
	s12 =	sadd.s32 $0x41200, s12  }
0x15: {  	s16 =	sadd.s32 s7, s9;
	s7 =	sadd.s32 $0x40A00, s9;
	s9 =	sor.u32 $0x1C02, s30  }
0x16: {  	p0 =	sge.u32 s10, s11;
	s15 =	sadd.s32 $0x3400, s16;
	s16 =	sadd.s32 $0xD200, s16  }
.LBB2_4:
0x17: {  	[sflag:s18] =	ssyncadd.s32 $0xFFFFF800  }
.LBB2_5:
0x18: {  	[bflag:$0x0] =	sbarrier.arrive $0xFFFF  }
0x19: {  	[hbm:s12], [sflag:s9] =	dma.local [spmem:s17], $0x2800  }
0x1a: {  	s24 =	sadd.s32 $0x1, s24;
	_ =	swait.ge [sflag:s18], $0x2800  }
0x1b: {  	p1 =	sne.s32 s24, s14;
	[sflag:s18] =	ssyncset.done $0x0  }
.Ltmp1:
0x1c: {  	[sflag:s18] =	ssyncadd.s32 $0xFFFFD800;
	(pc) =	sbr.rel @!p1 .LBB2_6-.Ltmp1, $4  }
0x1d: {  	[hbm:s13], [sflag:s9] =	dma.local [spmem:s19], $0x500  }
0x1e: {  	_ =	swait.ge [sflag:s18], $0x500  }
0x1f: {  	[sflag:s18] =	ssyncset.done $0x0  }
0x20: {  	[sflag:s18] =	ssyncadd.s32 $0xFFFFFB00  }
.LBB2_1:
0x21: {  	[spmem:s17], [sflag:s9] =	dma.local [hbm:s6], $0x2800  }
0x22: {  	_ =	swait.ge [sflag:s18], $0x2800  }
0x23: {  	[sflag:s18] =	ssyncset.done $0x0  }
0x24: {  	[sflag:s18] =	ssyncadd.s32 $0xFFFFD800  }
0x25: {  	[spmem:s19], [sflag:s9] =	dma.local [hbm:s7], $0x500  }
0x26: {  	_ =	swait.ge [sflag:s18], $0x500  }
0x27: {  	[sflag:s18] =	ssyncset.done $0x0  }
0x28: {  	[sflag:s18] =	ssyncadd.s32 $0xFFFFFB00  }
0x29: {  	[tilespmem:s20], [sflag:$0x2] =	stream.linear.gather [hbm4b:s8+s4], $0x800, $0x38;
	[tilespmem:$0x1B100] =	vst v63  }
.Ltmp2:
0x2a: {  	_ =	swait.ge [sflag:s18], $0x800;
	(pc) =	sbr.rel @p0 .LBB2_5-.Ltmp2, $3  }
0x2b: {  	[sflag:s18] =	ssyncset.done $0x0  }
0x2c: {  	[sflag:s18] =	ssyncadd.s32 $0xFFFFF800  }
0x2d: {  	[bflag:$0x0] =	sbarrier.arrive $0xFFFF;
	_ =	sdelay $0x1  }
0x2e: {  	[tilespmem:s4], [sflag:$0x2] =	stream.linear.gather [hbm4b:s16+s4], $0x80, $0x38;
	[tilespmem:$0x1B100] =	vst v63  }
0x2f: {  	_ =	swait.ge [sflag:s18], $0x80  }
0x30: {  	[sflag:s18] =	ssyncset.done $0x0  }
0x31: {  	[sflag:s18] =	ssyncadd.s32 $0xFFFFFF80  }
0x32: {  	[tilespmem:s21], [sflag:$0x2] =	stream.linear.gather [hbm4b:s15+s4], $0x80, $0x38;
	[tilespmem:$0x1B100] =	vst v63  }
0x33: {  	_ =	swait.ge [sflag:s18], $0x80  }
0x34: {  	[sflag:s18] =	ssyncset.done $0x0  }
0x35: {  	[sflag:s18] =	ssyncadd.s32 $0xFFFFFF80  }
0x36: {  	[tilespmem:s22], [sflag:$0x1] =	stream.indirect.gather [hbm4b:s5+s21], $0x80, s4, s21, $0xb8;
	[tilespmem:$0x1B100] =	vst v63  }
0x37: {  	_ =	swait.ge [sflag:s23], $0x4000  }
0x38: {  	[sflag:s23] =	ssyncset.done $0x0  }
0x39: {  	s25 =	sadd.s32 $0x1, s10;
	[sflag:s23] =	ssyncadd.s32 $0xFFFFC000  }
0x3a: {  	[spmem:s2] =	stream.indirect.scatter.add.f32 [tilespmem:s22], [sflag:$0x2], $0x80, s21, s21, $0xb8;
	[tilespmem:$0x1B100] =	vst v63  }
0x3b: {  	p1 =	slt.u32 s25, s11;
	_ =	swait.ge [sflag:s18], $0x4000  }
.Ltmp3:
0x3c: {  	[sflag:s18] =	ssyncset.done $0x0;
	(pc) =	sbr.rel @!p1 .LBB2_4-.Ltmp3, $4  }
0x3d: {  	[sflag:s18] =	ssyncadd.s32 $0xFFFFC000  }
0x3e: {  	[spmem:s3] =	stream.indirect.scatter.add.f32 [tilespmem:s20], [sflag:$0x2], $0x10, s21, s21, $0xb8;
	[tilespmem:$0x1B100] =	vst v63  }
0x3f: {  	_ =	swait.ge [sflag:s18], $0x800  }
0x40: {  	s26 =	sadd.s32 $0x10, s16;
	s28 =	smov.u32 s15;
	[sflag:s18] =	ssyncset.done $0x0  }
.LBB2_3:
0x41: {  	s25 =	sadd.s32 $0x1, s25;
	[sflag:s18] =	ssyncadd.s32 $0xFFFFF800;
	s28 =	sadd.s32 $0x10, s28  }
0x42: {  	[tilespmem:s4], [sflag:$0x2] =	stream.linear.gather [hbm4b:s26+s4], $0x80, $0x38;
	[tilespmem:$0x1B100] =	vst v63  }
0x43: {  	p1 =	slt.u32 s25, s11;
	_ =	swait.ge [sflag:s18], $0x80  }
0x44: {  	[sflag:s18] =	ssyncset.done $0x0  }
0x45: {  	[sflag:s18] =	ssyncadd.s32 $0xFFFFFF80  }
0x46: {  	[tilespmem:s21], [sflag:$0x2] =	stream.linear.gather [hbm4b:s28+s4], $0x80, $0x38;
	[tilespmem:$0x1B100] =	vst v63  }
0x47: {  	_ =	swait.ge [sflag:s18], $0x80  }
0x48: {  	[sflag:s18] =	ssyncset.done $0x0  }
0x49: {  	[sflag:s18] =	ssyncadd.s32 $0xFFFFFF80  }
0x4a: {  	[tilespmem:s22], [sflag:$0x1] =	stream.indirect.gather [hbm4b:s5+s21], $0x80, s4, s21, $0xb8;
	[tilespmem:$0x1B100] =	vst v63  }
0x4b: {  	_ =	swait.ge [sflag:s23], $0x4000  }
0x4c: {  	[sflag:s23] =	ssyncset.done $0x0  }
0x4d: {  	[sflag:s23] =	ssyncadd.s32 $0xFFFFC000  }
0x4e: {  	[spmem:s2] =	stream.indirect.scatter.add.f32 [tilespmem:s22], [sflag:$0x2], $0x80, s21, s21, $0xb8;
	[tilespmem:$0x1B100] =	vst v63  }
0x4f: {  	_ =	swait.ge [sflag:s18], $0x4000  }
.Ltmp4:
0x50: {  	[sflag:s18] =	ssyncset.done $0x0;
	(pc) =	sbr.rel @p1 .LBB2_3-.Ltmp4, $4  }
0x51: {  	[sflag:s18] =	ssyncadd.s32 $0xFFFFC000  }
0x52: {  	[spmem:s3] =	stream.indirect.scatter.add.f32 [tilespmem:s20], [sflag:$0x2], $0x10, s21, s21, $0xb8;
	[tilespmem:$0x1B100] =	vst v63  }
0x53: {  	_ =	swait.ge [sflag:s18], $0x800  }
0x54: {  	s26 =	sadd.s32 $0x10, s26;
	[sflag:s18] =	ssyncset.done $0x0  }
.Ltmp5:
0x55: {  	_ = 	snop;
	(pc) =	sbr.rel .LBB2_4-.Ltmp5, $1  }
0x56: {  	_ =	sdelay $0x3  }
.LBB2_6:
0x57: {  	_ =	sfence.sel $0x180000  }
0x58: {  	[bflag:$0x0] =	sbarrier.arrive $0xFFFF  }
0x59: {  	p0 =	sne.s32 s0, $0x0;
	_ =	strace $0x90000047  }
0x5a: {  	s0 =	sadd.s32 @!p0 $0x100000, s1;
	[bflag:$0x2] =	sbarrier.arrive $0xFFFF  }
0x5b: {  	[sflag:s0] =	ssyncadd.tile.s32 @!p0 $0x1;
	_ =	shalt  }
.Lfunc_end2:
_tile_overlayer_lowered:
.L_overlay_start_2:
0x5c: {  	(tag) =	ssettag $0x2  }
0x5d: {  	s0 =	rddreg [dreg:$0x0];
	s2 =	stileid.u32  }
0x5e: {  	s1 =	rddreg [dreg:$0x1];
	p0 =	sne.s32 s2, $0x0  }
0x5f: {  	s3 =	rddreg [dreg:$0x2];
	[bflag:$0x3] =	sbarrier.arrive $0xFFFF;
	s2 =	simm.s32 @!p0 $0x1C02  }
0x60: {  	[timem:s3], [sflag:s2] =	dma.local @!p0 [hbm:s0], s1  }
0x61: {  	s0 =	simm.s32 @!p0 $0x2  }
0x62: {  	_ =	swait.ge @!p0 [sflag:s0], s1  }
0x63: {  	s1 =	ssub.s32 @!p0 $0x0, s1;
	[sflag:s0] =	ssyncset.done @!p0 $0x0  }
0x64: {  	[sflag:s0] =	ssyncadd.s32 @!p0 s1  }
0x65: {  	[bflag:$0x3] =	sbarrier.arrive $0xFFFF  }
0x66: {  	_ =	shalt  }

// kernel: kernel.14.cloned.1.call-start
scs
__scs_entry_jumppad:
0x0: {  	(pc) =	sbr.rel $0x88, $3  }
0x1: {  	(tag) =	ssettag $0x0;
	lr =	simm.s32 $0x1  }
0x2: {  	[smem:$0x3F93] =	sst lr;
	_ =	strace $0xD0000000  }
0x3: {  	_ = 	snop  }
0x4: {  	_ = 	snop  }
0x5: {  	_ = 	snop  }
0x6: {  	_ = 	snop  }
0x7: {  	_ = 	snop  }
__scs_overlays_trampoline_lowered:
0x8: {  	[smem:$0x3FA2] =	sst s0  }
0x9: {  	[smem:$0x3FA3] =	sst s1  }
0xa: {  	[smem:$0x3FA4] =	sst s2  }
0xb: {  	[smem:$0x3FA5] =	sst s3  }
0xc: {  	[smem:$0x3FA6] =	sst s4  }
0xd: {  	[smem:$0x3FA7] =	sst s5  }
0xe: {  	[smem:$0x3FA8] =	sst s6  }
0xf: {  	[smem:$0x3FA9] =	sst s7  }
0x10: {  	[smem:$0x3FAA] =	sst s8  }
0x11: {  	[smem:$0x3FAB] =	sst s9;
	s0 =	simm.s32 @!p0 $0x0  }
0x12: {  	s1 =	sld [smem:$0x3F91];
	s0 =	simm.s32 @p0 $0x1  }
0x13: {  	[smem:$0x3FAC] =	sst s0;
	s0 =	simm.s32 @!p1 $0x0  }
0x14: {  	s2 =	sld [smem:$0x3F90];
	s0 =	simm.s32 @p1 $0x1  }
0x15: {  	[smem:$0x3FAD] =	sst s0;
	s0 =	simm.s32 @!p2 $0x0  }
0x16: {  	s3 =	sld [smem:$0x3FDB];
	s0 =	simm.s32 @p2 $0x1  }
0x17: {  	s4 =	simm.s32 $0x1BF5;
	[smem:$0x3FAF] =	sst s0  }
0x18: {  	s0 =	sld [smem:$0x3F92];
	_ =	swait.ge [sflag:s4], $0x0  }
0x19: {  	s7 =	sld [smem:$0x3F93]  }
0x1a: {  	s8 =	sadd.s32 $0xFFFFE003, lr  }
0x1b: {  	s9 =	sadd.s32 $0xFFFFFEF7, lr;
	s5 =	simm.s32 $0xFFFFFFFF;
	p2 =	slt.u32 s8, $0xFFFFF086  }
0x1c: {  	p1 =	slt.u32 s9, $0xF7A;
	s5 =	simm.s32 @!p2 $0x0  }
0x1d: {  	s5 =	simm.s32 @p1 $0x1;
	p0 =	seq.s32 s7, s2  }
0x1e: {  	s7 =	smul.u32 @!p0 $0xF7A, s2;
	p2 =	seq.s32 @!p0 s5, $0x0  }
0x1f: {  	s9 =	smul.u32 $0xF7A, s1;
	s8 =	simm.s32 @!p0 $0x1BF5;
	p2 =	por !p2, p0  }
0x20: {  	[sflag:s8] =	ssyncset.s32 @!p0 $0xFFFFF086;
	s6 =	sadd.s32 @!p0 s3, s7;
	s7 =	simm.s32 @!p0 $0x108  }
0x21: {  	s3 =	sadd.s32 s3, s9;
	s6 =	sadd.s32 @!p0 $0x88, s6;
	s7 =	simm.s32 @p2 $0x1082  }
0x22: {  	[simem:s7], [sflag:s8] =	dma.local @!p0 [hbm:s6], $0xF7A  }
0x23: {  	s9 =	sor.u32 $0xD0000000, s2;
	s6 =	simm.s32 $0x108;
	_ =	swait.ge @!p0 [sflag:s8], $0x0  }
0x24: {  	s3 =	sadd.s32 $0x88, s3;
	s6 =	simm.s32 @!p1 $0x1082;
	[sflag:s4] =	ssyncset.s32 $0xFFFFF086  }
0x25: {  	[simem:s6], [sflag:s4] =	dma.local [hbm:s3], $0xF7A  }
0x26: {  	[smem:$0x3F93] =	sst s1;
	(tag) =	ssettag s2;
	_ =	strace s9  }
0x27: {  	s1 =	sld [smem:$0x3FA3]  }
0x28: {  	s2 =	sld [smem:$0x3FA4]  }
0x29: {  	s4 =	sld [smem:$0x3FA6]  }
0x2a: {  	p0 =	seq.s32 s5, $0x0;
	s5 =	sld [smem:$0x3FA7]  }
0x2b: {  	s6 =	sld [smem:$0x3FA8]  }
0x2c: {  	s7 =	sld [smem:$0x3FA9]  }
0x2d: {  	s3 =	simm.s32 $0x108;
	s8 =	sld [smem:$0x3FAA]  }
0x2e: {  	s3 =	simm.s32 @!p0 $0x1082;
	s9 =	sld [smem:$0x3FAB]  }
0x2f: {  	lr =	sadd.s32 s0, s3;
	s0 =	sld [smem:$0x3FA2]  }
0x30: {  	s3 =	sld [smem:$0x3FA5]  }
0x31: {  	[smem:$0x3FAE] =	sst s10  }
0x32: {  	s10 =	sld [smem:$0x3FAC];
	_ =	sdelay $0x3  }
0x33: {  	p0 =	seq.s32 s10, $0x1;
	s10 =	sld [smem:$0x3FAE];
	_ =	sdelay $0x3  }
0x34: {  	[smem:$0x3FAE] =	sst s10  }
0x35: {  	s10 =	sld [smem:$0x3FAD];
	_ =	sdelay $0x3  }
0x36: {  	p1 =	seq.s32 s10, $0x1;
	s10 =	sld [smem:$0x3FAE];
	_ =	sdelay $0x3  }
0x37: {  	[smem:$0x3FAE] =	sst s10  }
0x38: {  	s10 =	sld [smem:$0x3FAF]  }
0x39: {  	_ = 	snop;
	(pc) =	sbr.ind lr, $3  }
0x3a: {  	_ = 	snop  }
0x3b: {  	_ = 	snop  }
0x3c: {  	p2 =	seq.s32 s10, $0x1;
	s10 =	sld [smem:$0x3FAE]  }
0x3d: {  	_ =	shalt  }
0x3e: {  	_ =	shalt  }
0x3f: {  	_ =	shalt  }
0x40: {  	_ =	shalt  }
0x41: {  	_ =	shalt  }
0x42: {  	_ =	shalt  }
0x43: {  	_ =	shalt  }
0x44: {  	_ =	shalt  }
0x45: {  	_ =	shalt  }
0x46: {  	_ =	shalt  }
0x47: {  	_ =	shalt  }
0x48: {  	_ =	shalt  }
0x49: {  	_ =	shalt  }
0x4a: {  	_ =	shalt  }
0x4b: {  	_ =	shalt  }
0x4c: {  	_ =	shalt  }
0x4d: {  	_ =	shalt  }
0x4e: {  	_ =	shalt  }
0x4f: {  	_ =	shalt  }
0x50: {  	_ =	shalt  }
0x51: {  	_ =	shalt  }
0x52: {  	_ =	shalt  }
0x53: {  	_ =	shalt  }
0x54: {  	_ =	shalt  }
0x55: {  	_ =	shalt  }
0x56: {  	_ =	shalt  }
0x57: {  	_ =	shalt  }
0x58: {  	_ =	shalt  }
0x59: {  	_ =	shalt  }
0x5a: {  	_ =	shalt  }
0x5b: {  	_ =	shalt  }
0x5c: {  	_ =	shalt  }
0x5d: {  	_ =	shalt  }
0x5e: {  	_ =	shalt  }
0x5f: {  	_ =	shalt  }
0x60: {  	_ =	shalt  }
0x61: {  	_ =	shalt  }
0x62: {  	_ =	shalt  }
0x63: {  	_ =	shalt  }
0x64: {  	_ =	shalt  }
0x65: {  	_ =	shalt  }
0x66: {  	_ =	shalt  }
0x67: {  	_ =	shalt  }
0x68: {  	_ =	shalt  }
0x69: {  	_ =	shalt  }
0x6a: {  	_ =	shalt  }
0x6b: {  	_ =	shalt  }
0x6c: {  	_ =	shalt  }
0x6d: {  	_ =	shalt  }
0x6e: {  	_ =	shalt  }
0x6f: {  	_ =	shalt  }
0x70: {  	_ =	shalt  }
0x71: {  	_ =	shalt  }
0x72: {  	_ =	shalt  }
0x73: {  	_ =	shalt  }
0x74: {  	_ =	shalt  }
0x75: {  	_ =	shalt  }
0x76: {  	_ =	shalt  }
0x77: {  	_ =	shalt  }
0x78: {  	_ =	shalt  }
0x79: {  	_ =	shalt  }
0x7a: {  	_ =	shalt  }
0x7b: {  	_ =	shalt  }
0x7c: {  	_ =	shalt  }
0x7d: {  	_ =	shalt  }
0x7e: {  	_ =	shalt  }
0x7f: {  	_ =	shalt  }
0x80: {  	_ =	shalt  }
0x81: {  	_ =	shalt  }
0x82: {  	_ =	shalt  }
0x83: {  	_ =	shalt  }
0x84: {  	_ =	shalt  }
0x85: {  	_ =	shalt  }
0x86: {  	_ =	shalt  }
0x87: {  	_ =	shalt  }
.Lfunc_end0:
.L_simem_size_0:
called_computation.1_lowered:
.L_overlay_start_0:
0x88: {  	s2 =	sld [smem:$0x3FD9]  }
0x89: {  	s3 =	sld [smem:$0x3FFE];
	_ =	sdelay $0x1  }
0x8a: {  	s1 =	srdreg.scid  }
0x8b: {  	s0 =	sand.u32 $0x1, s1  }
0x8c: {  	s16 =	sshll.u32 s0, $0xA;
	s2 =	sadd.s32 s3, s2  }
0x8d: {  	s2 =	sadd.s32 s2, s16  }
0x8e: {  	[smem:$0x3FBA] =	sst s2  }
0x8f: {  	_ = 	snop  }
0x90: {  	(tm) =	ssettm $0x1  }
0x91: {  	s17 =	sld [smem:$0x3FFB];
	_ =	sdelay $0x3  }
0x92: {  	_ =	strace s17  }
0x93: {  	s2 =	sld [smem:$0x3FFC];
	_ =	sdelay $0x3  }
0x94: {  	_ =	strace s2  }
0x95: {  	s2 =	sld [smem:$0x3FFD];
	_ =	sdelay $0x3  }
0x96: {  	_ =	strace s2  }
0x97: {  	_ =	strace $0x8FFFFFFF  }
0x98: {  	s18 =	sld [smem:$0x3FDB];
	_ =	sdelay $0x1  }
0x99: {  	s19 =	simm.s32 $_scs_section_size  }
0x9a: {  	s4 =	simm.s32 $_size__tile_overlayer_lowered;
	s5 =	simm.s32 $_tile_overlayer_lowered  }
0x9b: {  	s22 =	simm.s32 $0x1BFF;
	s21 =	sshll.u32 s5, $0x1;
	s2 =	sadd.s32 s19, s18  }
0x9c: {  	s6 =	simm.s32 $0x0;
	s20 =	sshll.u32 s4, $0x1;
	s4 =	sadd.s32 s21, s2  }
0x9d: {  	[timem:s6], [sflag:s22] =	dma.local [hbm:s4], s20  }
0x9e: {  	_ =	swait.ge [sflag:s22], s20  }
0x9f: {  	s3 =	ssub.s32 $0x0, s20;
	[sflag:s22] =	ssyncset.done $0x0  }
0xa0: {  	[sflag:s22] =	ssyncadd.s32 s3;
	_ =	sdelay $0x1  }
0xa1: {  	s23 =	simm.s32 $0x1B8B  }
0xa2: {  	_ =	swait.ge [sflag:s23], $0x1  }
0xa3: {  	[sflag:s23] =	ssyncset.done $0x0  }
0xa4: {  	s25 =	simm.s32 $0x1B8E;
	s24 =	sld [smem:$0x3FFE];
	[sflag:s23] =	ssyncadd.s32 $0xFFFFFFFF  }
0xa5: {  	s26 =	simm.s32 $execute0_lowered;
	[smem:$0x3FD2] =	sst s25  }
0xa6: {  	s4 =	sshll.u32 s26, $0x1;
	_ =	strace $0x80000049;
	[dreg:$0x1] =	wrdreg $0xFFFFFFFF  }
0xa7: {  	s28 =	simm.s32 $_size_execute0_lowered;
	s2 =	sadd.s32 s2, s4;
	[dreg:$0x0] =	wrdreg $0x0  }
0xa8: {  	s4 =	sshll.u32 s28, $0x1;
	[dreg:$0x2] =	wrdreg s2  }
0xa9: {  	[dreg:$0x3] =	wrdreg s4  }
0xaa: {  	[dreg:$0x4] =	wrdreg $0xC0  }
0xab: {  	_ =	task [dreg:s6], $0x5FFFF  }
0xac: {  	[dreg:$0x1] =	wrdreg $0xFFFFFFFF  }
0xad: {  	[dreg:$0x0] =	wrdreg $0x60  }
0xae: {  	[dreg:$0x2] =	wrdreg s24  }
0xaf: {  	[dreg:$0x3] =	wrdreg $0x41000  }
0xb0: {  	[dreg:$0x4] =	wrdreg $0x9  }
0xb1: {  	_ =	task.clear_ibuf [dreg:s6], $0x5FFFF;
	_ =	strace $0x90000049  }
0xb2: {  	s29 =	simm.s32 $0x9;
	_ =	strace $0x8000004B  }
0xb3: {  	_ =	swait.ge [sflag:s29], $0x1  }
0xb4: {  	[sflag:s29] =	ssyncadd.s32 $0xFFFFFFFF  }
0xb5: {  	_ =	strace $0x9000004B  }
0xb6: {  	_ =	sfence  }
0xb7: {  	s30 =	sld [smem:$0x0];
	_ =	sdelay $0x2  }
0xb8: {  	s31 =	sshll.u32 s1, $0xD;
	s1 =	sshrl.u32 s1, $0x2  }
0xb9: {  	s3 =	sand.u32 $0x4000, s31;
	s1 =	sadd.s32 s1, s30  }
0xba: {  	s0 =	sor.u32 s3, s0;
	s1 =	sshll.u32 s1, $0x11  }
0xbb: {  	s0 =	sor.u32 s1, s0  }
0xbc: {  	s0 =	sadd.s32 $0x8F2B, s0  }
0xbd: {  	[sflag:s0] =	ssyncadd.remote.s32 $0x1  }
0xbe: {  	_ =	sfence.sel $0xFFFF  }
0xbf: {  	[dreg:$0x0] =	wrdreg $0xFFFFFFFF;
	(pc) =	sbr.abs _section_cstart, $3  }
0xc0: {  	[dreg:$0x1] =	wrdreg $0xFFFFFFFF  }
0xc1: {  	_ =	task.clear_ibuf [dreg:s6], $0x2FFFF;
	_ =	strace $0x9FFFFFFF  }
0xc2: {  	(tm) =	ssettm $0x7FFFFFFF  }
0xc3: {  	_ =	shalt  }
tec
execute0_lowered:
.L_overlay_start_1:
0x0: {  	(tag) =	ssettag $0x1  }
0x1: {  	s0 =	srdreg.scid  }
0x2: {  	s7 =	rddreg [dreg:$0x0];
	s6 =	sand.u32 $0x1, s0  }
0x3: {  	s0 =	stileid.u32;
	s1 =	smul.u32 $0xFFFF9C40, s6  }
0x4: {  	s2 =	rddreg [dreg:$0x1];
	s14 =	simm.s32 $0x2;
	s3 =	smul.u32 $0x9C4, s0  }
0x5: {  	s15 =	simm.s32 $0x80;
	s16 =	simm.s32 $0x100;
	s8 =	smul.u32 $0x14000, s0  }
0x6: {  	s17 =	simm.s32 $0x1;
	s18 =	simm.s32 $0x0;
	s9 =	smul.u32 $0x140000, s6  }
0x7: {  	s10 =	sshll.u32 s6, $0x4;
	s6 =	ssub.s32 $0x2, s6;
	s30 =	sshll.u32 s0, $0x6  }
0x8: {  	s10 =	sor.u32 s0, s10;
	s29 =	sshrl.u32 s6, $0x1;
	s4 =	sand.u32 $0xFFC0, s1  }
0x9: {  	s1 =	rddreg [dreg:$0x2];
	s9 =	sadd.s32 s8, s9;
	s10 =	smul.u32 $0x9C4, s10  }
0xa: {  	s11 =	ssub.s32 s6, s29;
	s13 =	sadd.s32 s8, s2;
	s6 =	sor.u32 $0x1C02, s30  }
0xb: {  	s4 =	sadd.s32 s3, s4;
	s3 =	simm.s32 $0x0;
	s9 =	sshrl.u32 s9, $0x3  }
0xc: {  	s13 =	sshrl.u32 s13, $0x3;
	s4 =	sshrl.u32 s4, $0x1;
	[smem:$0x7FF] =	sst s3  }
.Ltmp0:
0xd: {  	s9 =	sadd.s32 s9, s7;
	s31 =	sadd.s32 $0x9C4, s10;
	(pc) =	sbr.rel .LBB2_1-.Ltmp0, $4  }
0xe: {  	s5 =	sand.u32 $0xFFF0, s4;
	_ =	strace $0x8000004A;
	s4 =	sadd.s32 $0x17000, s7  }
0xf: {  	s8 =	sshrl.u32 s31, $0x5;
	s9 =	sadd.s32 $0x8F400, s9;
	s12 =	sadd.s32 s5, s7  }
0x10: {  	s5 =	sadd.s32 $0x3E200, s7;
	s7 =	sshrl.u32 s10, $0x5;
	s10 =	smax.u32 s11, $0x1  }
0x11: {  	s11 =	sadd.s32 $0x3400, s12;
	s12 =	sadd.s32 $0xD200, s12;
	p0 =	sge.u32 s7, s8  }
.LBB2_4:
0x12: {  	[sflag:s14] =	ssyncadd.s32 $0xFFFFC000  }
.LBB2_5:
0x13: {  	s18 =	sadd.s32 $0x1, s18  }
0x14: {  	p1 =	sne.s32 s18, s10  }
.Ltmp1:
0x15: {  	[bflag:$0x0] =	sbarrier.arrive $0xFFFF;
	(pc) =	sbr.rel @!p1 .LBB2_6-.Ltmp1, $4  }
0x16: {  	[hbm:s9], [sflag:s6] =	dma.local [spmem:s13], $0x2800  }
0x17: {  	_ =	swait.ge [sflag:s14], $0x2800  }
0x18: {  	[sflag:s14] =	ssyncset.done $0x0  }
0x19: {  	[sflag:s14] =	ssyncadd.s32 $0xFFFFD800  }
.LBB2_1:
0x1a: {  	[spmem:s13], [sflag:s6] =	dma.local [hbm:s5], $0x2800  }
.Ltmp2:
0x1b: {  	_ =	swait.ge [sflag:s14], $0x2800;
	(pc) =	sbr.rel @p0 .LBB2_5-.Ltmp2, $3  }
0x1c: {  	[sflag:s14] =	ssyncset.done $0x0  }
0x1d: {  	[sflag:s14] =	ssyncadd.s32 $0xFFFFD800  }
0x1e: {  	[bflag:$0x0] =	sbarrier.arrive $0xFFFF;
	_ =	sdelay $0x1  }
0x1f: {  	[tilespmem:s3], [sflag:$0x2] =	stream.linear.gather [hbm4b:s12+s3], $0x80, $0x38;
	[tilespmem:$0x18100] =	vst v63  }
0x20: {  	_ =	swait.ge [sflag:s14], $0x80  }
0x21: {  	[sflag:s14] =	ssyncset.done $0x0  }
0x22: {  	[sflag:s14] =	ssyncadd.s32 $0xFFFFFF80  }
0x23: {  	[tilespmem:s15], [sflag:$0x2] =	stream.linear.gather [hbm4b:s11+s3], $0x80, $0x38;
	[tilespmem:$0x18100] =	vst v63  }
0x24: {  	_ =	swait.ge [sflag:s14], $0x80  }
0x25: {  	[sflag:s14] =	ssyncset.done $0x0  }
0x26: {  	s19 =	sadd.s32 $0x1, s7;
	[sflag:s14] =	ssyncadd.s32 $0xFFFFFF80  }
0x27: {  	[tilespmem:s16], [sflag:$0x1] =	stream.indirect.gather [hbm4b:s4+s15], $0x80, s3, s15, $0xb8;
	[tilespmem:$0x18100] =	vst v63  }
0x28: {  	p1 =	slt.u32 s19, s8;
	_ =	swait.ge [sflag:s17], $0x4000  }
.Ltmp3:
0x29: {  	[sflag:s17] =	ssyncset.done $0x0;
	(pc) =	sbr.rel @!p1 .LBB2_4-.Ltmp3, $4  }
0x2a: {  	[sflag:s17] =	ssyncadd.s32 $0xFFFFC000  }
0x2b: {  	[spmem:s2] =	stream.indirect.scatter.add.f32 [tilespmem:s16], [sflag:$0x2], $0x80, s15, s15, $0xb8;
	[tilespmem:$0x18100] =	vst v63  }
0x2c: {  	_ =	swait.ge [sflag:s14], $0x4000  }
0x2d: {  	s20 =	sadd.s32 $0x10, s12;
	s21 =	smov.u32 s11;
	[sflag:s14] =	ssyncset.done $0x0  }
.LBB2_3:
0x2e: {  	s19 =	sadd.s32 $0x1, s19;
	[sflag:s14] =	ssyncadd.s32 $0xFFFFC000;
	s21 =	sadd.s32 $0x10, s21  }
0x2f: {  	[tilespmem:s3], [sflag:$0x2] =	stream.linear.gather [hbm4b:s20+s3], $0x80, $0x38;
	[tilespmem:$0x18100] =	vst v63  }
0x30: {  	p1 =	slt.u32 s19, s8;
	_ =	swait.ge [sflag:s14], $0x80  }
0x31: {  	[sflag:s14] =	ssyncset.done $0x0  }
0x32: {  	[sflag:s14] =	ssyncadd.s32 $0xFFFFFF80  }
0x33: {  	[tilespmem:s15], [sflag:$0x2] =	stream.linear.gather [hbm4b:s21+s3], $0x80, $0x38;
	[tilespmem:$0x18100] =	vst v63  }
0x34: {  	_ =	swait.ge [sflag:s14], $0x80  }
0x35: {  	[sflag:s14] =	ssyncset.done $0x0  }
0x36: {  	[sflag:s14] =	ssyncadd.s32 $0xFFFFFF80  }
0x37: {  	[tilespmem:s16], [sflag:$0x1] =	stream.indirect.gather [hbm4b:s4+s15], $0x80, s3, s15, $0xb8;
	[tilespmem:$0x18100] =	vst v63  }
0x38: {  	_ =	swait.ge [sflag:s17], $0x4000  }
.Ltmp4:
0x39: {  	[sflag:s17] =	ssyncset.done $0x0;
	(pc) =	sbr.rel @p1 .LBB2_3-.Ltmp4, $4  }
0x3a: {  	[sflag:s17] =	ssyncadd.s32 $0xFFFFC000  }
0x3b: {  	[spmem:s2] =	stream.indirect.scatter.add.f32 [tilespmem:s16], [sflag:$0x2], $0x80, s15, s15, $0xb8;
	[tilespmem:$0x18100] =	vst v63  }
0x3c: {  	_ =	swait.ge [sflag:s14], $0x4000  }
0x3d: {  	s20 =	sadd.s32 $0x10, s20;
	[sflag:s14] =	ssyncset.done $0x0  }
.Ltmp5:
0x3e: {  	_ = 	snop;
	(pc) =	sbr.rel .LBB2_4-.Ltmp5, $1  }
0x3f: {  	_ =	sdelay $0x3  }
.LBB2_6:
0x40: {  	_ =	sfence.sel $0x180000  }
0x41: {  	[bflag:$0x0] =	sbarrier.arrive $0xFFFF  }
0x42: {  	p0 =	sne.s32 s0, $0x0;
	_ =	strace $0x9000004A  }
0x43: {  	s0 =	sadd.s32 @!p0 $0x100000, s1;
	[bflag:$0x2] =	sbarrier.arrive $0xFFFF  }
0x44: {  	[sflag:s0] =	ssyncadd.tile.s32 @!p0 $0x1;
	_ =	shalt  }
.Lfunc_end2:
_tile_overlayer_lowered:
.L_overlay_start_2:
0x45: {  	(tag) =	ssettag $0x2  }
0x46: {  	s0 =	rddreg [dreg:$0x0];
	s2 =	stileid.u32  }
0x47: {  	s1 =	rddreg [dreg:$0x1];
	p0 =	sne.s32 s2, $0x0  }
0x48: {  	s3 =	rddreg [dreg:$0x2];
	[bflag:$0x3] =	sbarrier.arrive $0xFFFF;
	s2 =	simm.s32 @!p0 $0x1C02  }
0x49: {  	[timem:s3], [sflag:s2] =	dma.local @!p0 [hbm:s0], s1  }
0x4a: {  	s0 =	simm.s32 @!p0 $0x2  }
0x4b: {  	_ =	swait.ge @!p0 [sflag:s0], s1  }
0x4c: {  	s1 =	ssub.s32 @!p0 $0x0, s1;
	[sflag:s0] =	ssyncset.done @!p0 $0x0  }
0x4d: {  	[sflag:s0] =	ssyncadd.s32 @!p0 s1  }
0x4e: {  	[bflag:$0x3] =	sbarrier.arrive $0xFFFF  }
0x4f: {  	_ =	shalt  }

// kernel: kernel.17.cloned.1.call-start
scs
__scs_entry_jumppad:
0x0: {  	(pc) =	sbr.rel $0x88, $3  }
0x1: {  	(tag) =	ssettag $0x0;
	lr =	simm.s32 $0x1  }
0x2: {  	[smem:$0x3F93] =	sst lr;
	_ =	strace $0xD0000000  }
0x3: {  	_ = 	snop  }
0x4: {  	_ = 	snop  }
0x5: {  	_ = 	snop  }
0x6: {  	_ = 	snop  }
0x7: {  	_ = 	snop  }
__scs_overlays_trampoline_lowered:
0x8: {  	[smem:$0x3FA2] =	sst s0  }
0x9: {  	[smem:$0x3FA3] =	sst s1  }
0xa: {  	[smem:$0x3FA4] =	sst s2  }
0xb: {  	[smem:$0x3FA5] =	sst s3  }
0xc: {  	[smem:$0x3FA6] =	sst s4  }
0xd: {  	[smem:$0x3FA7] =	sst s5  }
0xe: {  	[smem:$0x3FA8] =	sst s6  }
0xf: {  	[smem:$0x3FA9] =	sst s7  }
0x10: {  	[smem:$0x3FAA] =	sst s8  }
0x11: {  	[smem:$0x3FAB] =	sst s9;
	s0 =	simm.s32 @!p0 $0x0  }
0x12: {  	s1 =	sld [smem:$0x3F91];
	s0 =	simm.s32 @p0 $0x1  }
0x13: {  	[smem:$0x3FAC] =	sst s0;
	s0 =	simm.s32 @!p1 $0x0  }
0x14: {  	s2 =	sld [smem:$0x3F90];
	s0 =	simm.s32 @p1 $0x1  }
0x15: {  	[smem:$0x3FAD] =	sst s0;
	s0 =	simm.s32 @!p2 $0x0  }
0x16: {  	s3 =	sld [smem:$0x3FDB];
	s0 =	simm.s32 @p2 $0x1  }
0x17: {  	s4 =	simm.s32 $0x1BF5;
	[smem:$0x3FAF] =	sst s0  }
0x18: {  	s0 =	sld [smem:$0x3F92];
	_ =	swait.ge [sflag:s4], $0x0  }
0x19: {  	s7 =	sld [smem:$0x3F93]  }
0x1a: {  	s8 =	sadd.s32 $0xFFFFE003, lr  }
0x1b: {  	s9 =	sadd.s32 $0xFFFFFEF7, lr;
	s5 =	simm.s32 $0xFFFFFFFF;
	p2 =	slt.u32 s8, $0xFFFFF086  }
0x1c: {  	p1 =	slt.u32 s9, $0xF7A;
	s5 =	simm.s32 @!p2 $0x0  }
0x1d: {  	s5 =	simm.s32 @p1 $0x1;
	p0 =	seq.s32 s7, s2  }
0x1e: {  	s7 =	smul.u32 @!p0 $0xF7A, s2;
	p2 =	seq.s32 @!p0 s5, $0x0  }
0x1f: {  	s9 =	smul.u32 $0xF7A, s1;
	s8 =	simm.s32 @!p0 $0x1BF5;
	p2 =	por !p2, p0  }
0x20: {  	[sflag:s8] =	ssyncset.s32 @!p0 $0xFFFFF086;
	s6 =	sadd.s32 @!p0 s3, s7;
	s7 =	simm.s32 @!p0 $0x108  }
0x21: {  	s3 =	sadd.s32 s3, s9;
	s6 =	sadd.s32 @!p0 $0x88, s6;
	s7 =	simm.s32 @p2 $0x1082  }
0x22: {  	[simem:s7], [sflag:s8] =	dma.local @!p0 [hbm:s6], $0xF7A  }
0x23: {  	s9 =	sor.u32 $0xD0000000, s2;
	s6 =	simm.s32 $0x108;
	_ =	swait.ge @!p0 [sflag:s8], $0x0  }
0x24: {  	s3 =	sadd.s32 $0x88, s3;
	s6 =	simm.s32 @!p1 $0x1082;
	[sflag:s4] =	ssyncset.s32 $0xFFFFF086  }
0x25: {  	[simem:s6], [sflag:s4] =	dma.local [hbm:s3], $0xF7A  }
0x26: {  	[smem:$0x3F93] =	sst s1;
	(tag) =	ssettag s2;
	_ =	strace s9  }
0x27: {  	s1 =	sld [smem:$0x3FA3]  }
0x28: {  	s2 =	sld [smem:$0x3FA4]  }
0x29: {  	s4 =	sld [smem:$0x3FA6]  }
0x2a: {  	p0 =	seq.s32 s5, $0x0;
	s5 =	sld [smem:$0x3FA7]  }
0x2b: {  	s6 =	sld [smem:$0x3FA8]  }
0x2c: {  	s7 =	sld [smem:$0x3FA9]  }
0x2d: {  	s3 =	simm.s32 $0x108;
	s8 =	sld [smem:$0x3FAA]  }
0x2e: {  	s3 =	simm.s32 @!p0 $0x1082;
	s9 =	sld [smem:$0x3FAB]  }
0x2f: {  	lr =	sadd.s32 s0, s3;
	s0 =	sld [smem:$0x3FA2]  }
0x30: {  	s3 =	sld [smem:$0x3FA5]  }
0x31: {  	[smem:$0x3FAE] =	sst s10  }
0x32: {  	s10 =	sld [smem:$0x3FAC];
	_ =	sdelay $0x3  }
0x33: {  	p0 =	seq.s32 s10, $0x1;
	s10 =	sld [smem:$0x3FAE];
	_ =	sdelay $0x3  }
0x34: {  	[smem:$0x3FAE] =	sst s10  }
0x35: {  	s10 =	sld [smem:$0x3FAD];
	_ =	sdelay $0x3  }
0x36: {  	p1 =	seq.s32 s10, $0x1;
	s10 =	sld [smem:$0x3FAE];
	_ =	sdelay $0x3  }
0x37: {  	[smem:$0x3FAE] =	sst s10  }
0x38: {  	s10 =	sld [smem:$0x3FAF]  }
0x39: {  	_ = 	snop;
	(pc) =	sbr.ind lr, $3  }
0x3a: {  	_ = 	snop  }
0x3b: {  	_ = 	snop  }
0x3c: {  	p2 =	seq.s32 s10, $0x1;
	s10 =	sld [smem:$0x3FAE]  }
0x3d: {  	_ =	shalt  }
0x3e: {  	_ =	shalt  }
0x3f: {  	_ =	shalt  }
0x40: {  	_ =	shalt  }
0x41: {  	_ =	shalt  }
0x42: {  	_ =	shalt  }
0x43: {  	_ =	shalt  }
0x44: {  	_ =	shalt  }
0x45: {  	_ =	shalt  }
0x46: {  	_ =	shalt  }
0x47: {  	_ =	shalt  }
0x48: {  	_ =	shalt  }
0x49: {  	_ =	shalt  }
0x4a: {  	_ =	shalt  }
0x4b: {  	_ =	shalt  }
0x4c: {  	_ =	shalt  }
0x4d: {  	_ =	shalt  }
0x4e: {  	_ =	shalt  }
0x4f: {  	_ =	shalt  }
0x50: {  	_ =	shalt  }
0x51: {  	_ =	shalt  }
0x52: {  	_ =	shalt  }
0x53: {  	_ =	shalt  }
0x54: {  	_ =	shalt  }
0x55: {  	_ =	shalt  }
0x56: {  	_ =	shalt  }
0x57: {  	_ =	shalt  }
0x58: {  	_ =	shalt  }
0x59: {  	_ =	shalt  }
0x5a: {  	_ =	shalt  }
0x5b: {  	_ =	shalt  }
0x5c: {  	_ =	shalt  }
0x5d: {  	_ =	shalt  }
0x5e: {  	_ =	shalt  }
0x5f: {  	_ =	shalt  }
0x60: {  	_ =	shalt  }
0x61: {  	_ =	shalt  }
0x62: {  	_ =	shalt  }
0x63: {  	_ =	shalt  }
0x64: {  	_ =	shalt  }
0x65: {  	_ =	shalt  }
0x66: {  	_ =	shalt  }
0x67: {  	_ =	shalt  }
0x68: {  	_ =	shalt  }
0x69: {  	_ =	shalt  }
0x6a: {  	_ =	shalt  }
0x6b: {  	_ =	shalt  }
0x6c: {  	_ =	shalt  }
0x6d: {  	_ =	shalt  }
0x6e: {  	_ =	shalt  }
0x6f: {  	_ =	shalt  }
0x70: {  	_ =	shalt  }
0x71: {  	_ =	shalt  }
0x72: {  	_ =	shalt  }
0x73: {  	_ =	shalt  }
0x74: {  	_ =	shalt  }
0x75: {  	_ =	shalt  }
0x76: {  	_ =	shalt  }
0x77: {  	_ =	shalt  }
0x78: {  	_ =	shalt  }
0x79: {  	_ =	shalt  }
0x7a: {  	_ =	shalt  }
0x7b: {  	_ =	shalt  }
0x7c: {  	_ =	shalt  }
0x7d: {  	_ =	shalt  }
0x7e: {  	_ =	shalt  }
0x7f: {  	_ =	shalt  }
0x80: {  	_ =	shalt  }
0x81: {  	_ =	shalt  }
0x82: {  	_ =	shalt  }
0x83: {  	_ =	shalt  }
0x84: {  	_ =	shalt  }
0x85: {  	_ =	shalt  }
0x86: {  	_ =	shalt  }
0x87: {  	_ =	shalt  }
.Lfunc_end0:
.L_simem_size_0:
called_computation.2_lowered:
.L_overlay_start_0:
0x88: {  	s2 =	sld [smem:$0x3FD9]  }
0x89: {  	s3 =	sld [smem:$0x3FFE];
	_ =	sdelay $0x1  }
0x8a: {  	s1 =	srdreg.scid  }
0x8b: {  	s0 =	sand.u32 $0x1, s1  }
0x8c: {  	s17 =	sshll.u32 s0, $0xA;
	s2 =	sadd.s32 s3, s2  }
0x8d: {  	s2 =	sadd.s32 s2, s17  }
0x8e: {  	[smem:$0x3FBA] =	sst s2  }
0x8f: {  	_ = 	snop  }
0x90: {  	s2 =	sld [smem:$0x3FD0];
	(tm) =	ssettm $0x1  }
0x91: {  	s18 =	sld [smem:$0x3FFB];
	_ =	sdelay $0x3  }
0x92: {  	_ =	strace s18  }
0x93: {  	s3 =	sld [smem:$0x3FFC];
	_ =	sdelay $0x3  }
0x94: {  	_ =	strace s3  }
0x95: {  	s3 =	sld [smem:$0x3FFD];
	_ =	sdelay $0x3  }
0x96: {  	_ =	strace s3  }
0x97: {  	_ =	strace $0x8FFFFFFF  }
0x98: {  	s19 =	sld [smem:$0x3FDB];
	_ =	sdelay $0x1  }
0x99: {  	s4 =	simm.s32 $_scs_section_size  }
0x9a: {  	s5 =	simm.s32 $_size__tile_overlayer_lowered;
	s6 =	simm.s32 $_tile_overlayer_lowered  }
0x9b: {  	s22 =	simm.s32 $0x1BFF;
	s21 =	sshll.u32 s6, $0x1;
	s3 =	sadd.s32 s4, s19  }
0x9c: {  	s7 =	simm.s32 $0x0;
	s20 =	sshll.u32 s5, $0x1;
	s5 =	sadd.s32 s21, s3  }
0x9d: {  	[timem:s7], [sflag:s22] =	dma.local [hbm:s5], s20  }
0x9e: {  	_ =	swait.ge [sflag:s22], s20  }
0x9f: {  	s4 =	ssub.s32 $0x0, s20;
	[sflag:s22] =	ssyncset.done $0x0  }
0xa0: {  	[sflag:s22] =	ssyncadd.s32 s4;
	_ =	sdelay $0x1  }
0xa1: {  	s23 =	simm.s32 $0x1B8B  }
0xa2: {  	_ =	swait.ge [sflag:s23], $0x1  }
0xa3: {  	[sflag:s23] =	ssyncset.done $0x0  }
0xa4: {  	s25 =	simm.s32 $0x1B8E;
	s24 =	sld [smem:$0x3FFE];
	[sflag:s23] =	ssyncadd.s32 $0xFFFFFFFF  }
0xa5: {  	s26 =	simm.s32 $execute0_lowered;
	[smem:$0x3FD2] =	sst s25  }
0xa6: {  	s5 =	sshll.u32 s26, $0x1;
	_ =	strace $0x8000004C;
	[dreg:$0x1] =	wrdreg $0xFFFFFFFF  }
0xa7: {  	s28 =	simm.s32 $_size_execute0_lowered;
	s3 =	sadd.s32 s3, s5;
	[dreg:$0x0] =	wrdreg $0x0  }
0xa8: {  	s5 =	sshll.u32 s28, $0x1;
	[dreg:$0x2] =	wrdreg s3  }
0xa9: {  	[dreg:$0x3] =	wrdreg s5  }
0xaa: {  	[dreg:$0x4] =	wrdreg $0xC0  }
0xab: {  	_ =	task [dreg:s7], $0x5FFFF  }
0xac: {  	[dreg:$0x1] =	wrdreg $0xFFFFFFFF  }
0xad: {  	[dreg:$0x0] =	wrdreg $0x60  }
0xae: {  	[dreg:$0x2] =	wrdreg s2  }
0xaf: {  	[dreg:$0x3] =	wrdreg s24  }
0xb0: {  	[dreg:$0x4] =	wrdreg $0x21000  }
0xb1: {  	[dreg:$0x5] =	wrdreg $0x9  }
0xb2: {  	_ =	task.clear_ibuf [dreg:s7], $0x6FFFF;
	_ =	strace $0x9000004C  }
0xb3: {  	s29 =	simm.s32 $0x9;
	_ =	strace $0x8000004E  }
0xb4: {  	_ =	swait.ge [sflag:s29], $0x1  }
0xb5: {  	[sflag:s29] =	ssyncadd.s32 $0xFFFFFFFF  }
0xb6: {  	_ =	strace $0x9000004E  }
0xb7: {  	_ =	sfence  }
0xb8: {  	s30 =	sld [smem:$0x0];
	_ =	sdelay $0x2  }
0xb9: {  	s31 =	sshll.u32 s1, $0xD;
	s1 =	sshrl.u32 s1, $0x2  }
0xba: {  	s3 =	sand.u32 $0x4000, s31;
	s1 =	sadd.s32 s1, s30  }
0xbb: {  	s0 =	sor.u32 s3, s0;
	s1 =	sshll.u32 s1, $0x11  }
0xbc: {  	s0 =	sor.u32 s1, s0  }
0xbd: {  	s0 =	sadd.s32 $0x8F2B, s0  }
0xbe: {  	[sflag:s0] =	ssyncadd.remote.s32 $0x1  }
0xbf: {  	_ =	sfence.sel $0xFFFF  }
0xc0: {  	[dreg:$0x0] =	wrdreg $0xFFFFFFFF;
	(pc) =	sbr.abs _section_cstart, $3  }
0xc1: {  	[dreg:$0x1] =	wrdreg $0xFFFFFFFF  }
0xc2: {  	_ =	task.clear_ibuf [dreg:s7], $0x2FFFF;
	_ =	strace $0x9FFFFFFF  }
0xc3: {  	(tm) =	ssettm $0x7FFFFFFF  }
tec
execute0_lowered:
.L_overlay_start_1:
0x0: {  	(tag) =	ssettag $0x1  }
0x1: {  	s1 =	rddreg [dreg:$0x0]  }
0x2: {  	s0 =	srdreg.scid;
	s7 =	rddreg [dreg:$0x1]  }
0x3: {  	s3 =	rddreg [dreg:$0x2];
	s6 =	sand.u32 $0x1, s0  }
0x4: {  	s14 =	simm.s32 $0x2;
	s0 =	stileid.u32;
	s2 =	smul.u32 $0xFFFF9C40, s6  }
0x5: {  	s15 =	simm.s32 $0x80;
	s16 =	simm.s32 $0x100;
	s4 =	smul.u32 $0x9C4, s0  }
0x6: {  	s17 =	simm.s32 $0x1;
	s18 =	simm.s32 $0x0;
	s8 =	smul.u32 $0xA000, s0  }
0x7: {  	s9 =	smul.u32 $0xA0000, s6;
	s10 =	sshll.u32 s6, $0x4;
	s6 =	ssub.s32 $0x2, s6  }
0x8: {  	s30 =	sshll.u32 s0, $0x6;
	s10 =	sor.u32 s0, s10;
	s29 =	sshrl.u32 s6, $0x1  }
0x9: {  	s5 =	sand.u32 $0xFFC0, s2;
	s2 =	rddreg [dreg:$0x3];
	s9 =	sadd.s32 s8, s9  }
0xa: {  	s10 =	smul.u32 $0x9C4, s10;
	s11 =	ssub.s32 s6, s29;
	s13 =	sadd.s32 s8, s3  }
0xb: {  	s6 =	sor.u32 $0x1C02, s30;
	s5 =	sadd.s32 s4, s5;
	s4 =	simm.s32 $0x0  }
0xc: {  	s9 =	sshrl.u32 s9, $0x3;
	s13 =	sshrl.u32 s13, $0x3;
	s5 =	sshrl.u32 s5, $0x1  }
.Ltmp0:
0xd: {  	[smem:$0x7FF] =	sst s4;
	s9 =	sadd.s32 s9, s7;
	(pc) =	sbr.rel .LBB2_1-.Ltmp0, $4  }
0xe: {  	s31 =	sadd.s32 $0x9C4, s10;
	s5 =	sand.u32 $0xFFF0, s5;
	_ =	strace $0x8000004D  }
0xf: {  	s8 =	sshrl.u32 s31, $0x5;
	s9 =	sadd.s32 $0x18400, s9;
	s12 =	sadd.s32 s5, s7  }
0x10: {  	s5 =	sadd.s32 $0x17000, s7;
	s7 =	sshrl.u32 s10, $0x5;
	s10 =	smax.u32 s11, $0x1  }
0x11: {  	s11 =	sadd.s32 $0x3400, s12;
	s12 =	sadd.s32 $0xD200, s12;
	p0 =	sge.u32 s7, s8  }
.LBB2_4:
0x12: {  	[sflag:s14] =	ssyncadd.s32 $0xFFFFE000  }
.LBB2_5:
0x13: {  	s18 =	sadd.s32 $0x1, s18  }
0x14: {  	p1 =	sne.s32 s18, s10  }
.Ltmp1:
0x15: {  	[bflag:$0x0] =	sbarrier.arrive $0xFFFF;
	(pc) =	sbr.rel @!p1 .LBB2_6-.Ltmp1, $4  }
0x16: {  	[hbm:s9], [sflag:s6] =	dma.local [spmem:s13], $0x1400  }
0x17: {  	_ =	swait.ge [sflag:s14], $0x1400  }
0x18: {  	[sflag:s14] =	ssyncset.done $0x0  }
0x19: {  	[sflag:s14] =	ssyncadd.s32 $0xFFFFEC00  }
.LBB2_1:
0x1a: {  	[spmem:s13], [sflag:s6] =	dma.local [hbm:s5], $0x1400  }
.Ltmp2:
0x1b: {  	_ =	swait.ge [sflag:s14], $0x1400;
	(pc) =	sbr.rel @p0 .LBB2_5-.Ltmp2, $3  }
0x1c: {  	[sflag:s14] =	ssyncset.done $0x0  }
0x1d: {  	[sflag:s14] =	ssyncadd.s32 $0xFFFFEC00  }
0x1e: {  	[bflag:$0x0] =	sbarrier.arrive $0xFFFF;
	_ =	sdelay $0x1  }
0x1f: {  	[tilespmem:s4], [sflag:$0x2] =	stream.linear.gather [hbm4b:s12+s4], $0x80, $0x38;
	[tilespmem:$0xC100] =	vst v63  }
0x20: {  	_ =	swait.ge [sflag:s14], $0x80  }
0x21: {  	[sflag:s14] =	ssyncset.done $0x0  }
0x22: {  	[sflag:s14] =	ssyncadd.s32 $0xFFFFFF80  }
0x23: {  	[tilespmem:s15], [sflag:$0x2] =	stream.linear.gather [hbm4b:s11+s4], $0x80, $0x38;
	[tilespmem:$0xC100] =	vst v63  }
0x24: {  	_ =	swait.ge [sflag:s14], $0x80  }
0x25: {  	[sflag:s14] =	ssyncset.done $0x0  }
0x26: {  	s19 =	sadd.s32 $0x1, s7;
	[sflag:s14] =	ssyncadd.s32 $0xFFFFFF80  }
0x27: {  	[tilespmem:s16], [sflag:$0x1] =	stream.indirect.gather [hbm4b:s1+s15], $0x40, s4, s15, $0xb8;
	[tilespmem:$0xC100] =	vst v63  }
0x28: {  	p1 =	slt.u32 s19, s8;
	_ =	swait.ge [sflag:s17], $0x2000  }
.Ltmp3:
0x29: {  	[sflag:s17] =	ssyncset.done $0x0;
	(pc) =	sbr.rel @!p1 .LBB2_4-.Ltmp3, $4  }
0x2a: {  	[sflag:s17] =	ssyncadd.s32 $0xFFFFE000  }
0x2b: {  	[spmem:s3] =	stream.indirect.scatter.add.f32 [tilespmem:s16], [sflag:$0x2], $0x40, s15, s15, $0xb8;
	[tilespmem:$0xC100] =	vst v63  }
0x2c: {  	_ =	swait.ge [sflag:s14], $0x2000  }
0x2d: {  	s20 =	sadd.s32 $0x10, s12;
	s21 =	smov.u32 s11;
	[sflag:s14] =	ssyncset.done $0x0  }
.LBB2_3:
0x2e: {  	s19 =	sadd.s32 $0x1, s19;
	[sflag:s14] =	ssyncadd.s32 $0xFFFFE000;
	s21 =	sadd.s32 $0x10, s21  }
0x2f: {  	[tilespmem:s4], [sflag:$0x2] =	stream.linear.gather [hbm4b:s20+s4], $0x80, $0x38;
	[tilespmem:$0xC100] =	vst v63  }
0x30: {  	p1 =	slt.u32 s19, s8;
	_ =	swait.ge [sflag:s14], $0x80  }
0x31: {  	[sflag:s14] =	ssyncset.done $0x0  }
0x32: {  	[sflag:s14] =	ssyncadd.s32 $0xFFFFFF80  }
0x33: {  	[tilespmem:s15], [sflag:$0x2] =	stream.linear.gather [hbm4b:s21+s4], $0x80, $0x38;
	[tilespmem:$0xC100] =	vst v63  }
0x34: {  	_ =	swait.ge [sflag:s14], $0x80  }
0x35: {  	[sflag:s14] =	ssyncset.done $0x0  }
0x36: {  	[sflag:s14] =	ssyncadd.s32 $0xFFFFFF80  }
0x37: {  	[tilespmem:s16], [sflag:$0x1] =	stream.indirect.gather [hbm4b:s1+s15], $0x40, s4, s15, $0xb8;
	[tilespmem:$0xC100] =	vst v63  }
0x38: {  	_ =	swait.ge [sflag:s17], $0x2000  }
.Ltmp4:
0x39: {  	[sflag:s17] =	ssyncset.done $0x0;
	(pc) =	sbr.rel @p1 .LBB2_3-.Ltmp4, $4  }
0x3a: {  	[sflag:s17] =	ssyncadd.s32 $0xFFFFE000  }
0x3b: {  	[spmem:s3] =	stream.indirect.scatter.add.f32 [tilespmem:s16], [sflag:$0x2], $0x40, s15, s15, $0xb8;
	[tilespmem:$0xC100] =	vst v63  }
0x3c: {  	_ =	swait.ge [sflag:s14], $0x2000  }
0x3d: {  	s20 =	sadd.s32 $0x10, s20;
	[sflag:s14] =	ssyncset.done $0x0  }
.Ltmp5:
0x3e: {  	_ = 	snop;
	(pc) =	sbr.rel .LBB2_4-.Ltmp5, $1  }
0x3f: {  	_ =	sdelay $0x3  }
.LBB2_6:
0x40: {  	_ =	sfence.sel $0x180000  }
0x41: {  	[bflag:$0x0] =	sbarrier.arrive $0xFFFF  }
0x42: {  	p0 =	sne.s32 s0, $0x0;
	_ =	strace $0x9000004D  }
0x43: {  	s0 =	sadd.s32 @!p0 $0x100000, s2;
	[bflag:$0x2] =	sbarrier.arrive $0xFFFF  }
0x44: {  	[sflag:s0] =	ssyncadd.tile.s32 @!p0 $0x1;
	_ =	shalt  }
.Lfunc_end2:
_tile_overlayer_lowered:
.L_overlay_start_2:
0x45: {  	(tag) =	ssettag $0x2  }
0x46: {  	s0 =	rddreg [dreg:$0x0];
	s2 =	stileid.u32  }
0x47: {  	s1 =	rddreg [dreg:$0x1];
	p0 =	sne.s32 s2, $0x0  }
0x48: {  	s3 =	rddreg [dreg:$0x2];
	[bflag:$0x3] =	sbarrier.arrive $0xFFFF;
	s2 =	simm.s32 @!p0 $0x1C02  }
0x49: {  	[timem:s3], [sflag:s2] =	dma.local @!p0 [hbm:s0], s1  }
0x4a: {  	s0 =	simm.s32 @!p0 $0x2  }
0x4b: {  	_ =	swait.ge @!p0 [sflag:s0], s1  }
0x4c: {  	s1 =	ssub.s32 @!p0 $0x0, s1;
	[sflag:s0] =	ssyncset.done @!p0 $0x0  }
0x4d: {  	[sflag:s0] =	ssyncadd.s32 @!p0 s1  }
0x4e: {  	[bflag:$0x3] =	sbarrier.arrive $0xFFFF  }
0x4f: {  	_ =	shalt  }

// kernel: kernel.20.cloned.1.call-start
scs
__scs_entry_jumppad:
0x0: {  	(pc) =	sbr.rel $0x88, $3  }
0x1: {  	(tag) =	ssettag $0x0;
	lr =	simm.s32 $0x1  }
0x2: {  	[smem:$0x3F93] =	sst lr;
	_ =	strace $0xD0000000  }
0x3: {  	_ = 	snop  }
0x4: {  	_ = 	snop  }
0x5: {  	_ = 	snop  }
0x6: {  	_ = 	snop  }
0x7: {  	_ = 	snop  }
__scs_overlays_trampoline_lowered:
0x8: {  	[smem:$0x3FA2] =	sst s0  }
0x9: {  	[smem:$0x3FA3] =	sst s1  }
0xa: {  	[smem:$0x3FA4] =	sst s2  }
0xb: {  	[smem:$0x3FA5] =	sst s3  }
0xc: {  	[smem:$0x3FA6] =	sst s4  }
0xd: {  	[smem:$0x3FA7] =	sst s5  }
0xe: {  	[smem:$0x3FA8] =	sst s6  }
0xf: {  	[smem:$0x3FA9] =	sst s7  }
0x10: {  	[smem:$0x3FAA] =	sst s8  }
0x11: {  	[smem:$0x3FAB] =	sst s9;
	s0 =	simm.s32 @!p0 $0x0  }
0x12: {  	s1 =	sld [smem:$0x3F91];
	s0 =	simm.s32 @p0 $0x1  }
0x13: {  	[smem:$0x3FAC] =	sst s0;
	s0 =	simm.s32 @!p1 $0x0  }
0x14: {  	s2 =	sld [smem:$0x3F90];
	s0 =	simm.s32 @p1 $0x1  }
0x15: {  	[smem:$0x3FAD] =	sst s0;
	s0 =	simm.s32 @!p2 $0x0  }
0x16: {  	s3 =	sld [smem:$0x3FDB];
	s0 =	simm.s32 @p2 $0x1  }
0x17: {  	s4 =	simm.s32 $0x1BF5;
	[smem:$0x3FAF] =	sst s0  }
0x18: {  	s0 =	sld [smem:$0x3F92];
	_ =	swait.ge [sflag:s4], $0x0  }
0x19: {  	s7 =	sld [smem:$0x3F93]  }
0x1a: {  	s8 =	sadd.s32 $0xFFFFE003, lr  }
0x1b: {  	s9 =	sadd.s32 $0xFFFFFEF7, lr;
	s5 =	simm.s32 $0xFFFFFFFF;
	p2 =	slt.u32 s8, $0xFFFFF086  }
0x1c: {  	p1 =	slt.u32 s9, $0xF7A;
	s5 =	simm.s32 @!p2 $0x0  }
0x1d: {  	s5 =	simm.s32 @p1 $0x1;
	p0 =	seq.s32 s7, s2  }
0x1e: {  	s7 =	smul.u32 @!p0 $0xF7A, s2;
	p2 =	seq.s32 @!p0 s5, $0x0  }
0x1f: {  	s9 =	smul.u32 $0xF7A, s1;
	s8 =	simm.s32 @!p0 $0x1BF5;
	p2 =	por !p2, p0  }
0x20: {  	[sflag:s8] =	ssyncset.s32 @!p0 $0xFFFFF086;
	s6 =	sadd.s32 @!p0 s3, s7;
	s7 =	simm.s32 @!p0 $0x108  }
0x21: {  	s3 =	sadd.s32 s3, s9;
	s6 =	sadd.s32 @!p0 $0x88, s6;
	s7 =	simm.s32 @p2 $0x1082  }
0x22: {  	[simem:s7], [sflag:s8] =	dma.local @!p0 [hbm:s6], $0xF7A  }
0x23: {  	s9 =	sor.u32 $0xD0000000, s2;
	s6 =	simm.s32 $0x108;
	_ =	swait.ge @!p0 [sflag:s8], $0x0  }
0x24: {  	s3 =	sadd.s32 $0x88, s3;
	s6 =	simm.s32 @!p1 $0x1082;
	[sflag:s4] =	ssyncset.s32 $0xFFFFF086  }
0x25: {  	[simem:s6], [sflag:s4] =	dma.local [hbm:s3], $0xF7A  }
0x26: {  	[smem:$0x3F93] =	sst s1;
	(tag) =	ssettag s2;
	_ =	strace s9  }
0x27: {  	s1 =	sld [smem:$0x3FA3]  }
0x28: {  	s2 =	sld [smem:$0x3FA4]  }
0x29: {  	s4 =	sld [smem:$0x3FA6]  }
0x2a: {  	p0 =	seq.s32 s5, $0x0;
	s5 =	sld [smem:$0x3FA7]  }
0x2b: {  	s6 =	sld [smem:$0x3FA8]  }
0x2c: {  	s7 =	sld [smem:$0x3FA9]  }
0x2d: {  	s3 =	simm.s32 $0x108;
	s8 =	sld [smem:$0x3FAA]  }
0x2e: {  	s3 =	simm.s32 @!p0 $0x1082;
	s9 =	sld [smem:$0x3FAB]  }
0x2f: {  	lr =	sadd.s32 s0, s3;
	s0 =	sld [smem:$0x3FA2]  }
0x30: {  	s3 =	sld [smem:$0x3FA5]  }
0x31: {  	[smem:$0x3FAE] =	sst s10  }
0x32: {  	s10 =	sld [smem:$0x3FAC];
	_ =	sdelay $0x3  }
0x33: {  	p0 =	seq.s32 s10, $0x1;
	s10 =	sld [smem:$0x3FAE];
	_ =	sdelay $0x3  }
0x34: {  	[smem:$0x3FAE] =	sst s10  }
0x35: {  	s10 =	sld [smem:$0x3FAD];
	_ =	sdelay $0x3  }
0x36: {  	p1 =	seq.s32 s10, $0x1;
	s10 =	sld [smem:$0x3FAE];
	_ =	sdelay $0x3  }
0x37: {  	[smem:$0x3FAE] =	sst s10  }
0x38: {  	s10 =	sld [smem:$0x3FAF]  }
0x39: {  	_ = 	snop;
	(pc) =	sbr.ind lr, $3  }
0x3a: {  	_ = 	snop  }
0x3b: {  	_ = 	snop  }
0x3c: {  	p2 =	seq.s32 s10, $0x1;
	s10 =	sld [smem:$0x3FAE]  }
0x3d: {  	_ =	shalt  }
0x3e: {  	_ =	shalt  }
0x3f: {  	_ =	shalt  }
0x40: {  	_ =	shalt  }
0x41: {  	_ =	shalt  }
0x42: {  	_ =	shalt  }
0x43: {  	_ =	shalt  }
0x44: {  	_ =	shalt  }
0x45: {  	_ =	shalt  }
0x46: {  	_ =	shalt  }
0x47: {  	_ =	shalt  }
0x48: {  	_ =	shalt  }
0x49: {  	_ =	shalt  }
0x4a: {  	_ =	shalt  }
0x4b: {  	_ =	shalt  }
0x4c: {  	_ =	shalt  }
0x4d: {  	_ =	shalt  }
0x4e: {  	_ =	shalt  }
0x4f: {  	_ =	shalt  }
0x50: {  	_ =	shalt  }
0x51: {  	_ =	shalt  }
0x52: {  	_ =	shalt  }
0x53: {  	_ =	shalt  }
0x54: {  	_ =	shalt  }
0x55: {  	_ =	shalt  }
0x56: {  	_ =	shalt  }
0x57: {  	_ =	shalt  }
0x58: {  	_ =	shalt  }
0x59: {  	_ =	shalt  }
0x5a: {  	_ =	shalt  }
0x5b: {  	_ =	shalt  }
0x5c: {  	_ =	shalt  }
0x5d: {  	_ =	shalt  }
0x5e: {  	_ =	shalt  }
0x5f: {  	_ =	shalt  }
0x60: {  	_ =	shalt  }
0x61: {  	_ =	shalt  }
0x62: {  	_ =	shalt  }
0x63: {  	_ =	shalt  }
0x64: {  	_ =	shalt  }
0x65: {  	_ =	shalt  }
0x66: {  	_ =	shalt  }
0x67: {  	_ =	shalt  }
0x68: {  	_ =	shalt  }
0x69: {  	_ =	shalt  }
0x6a: {  	_ =	shalt  }
0x6b: {  	_ =	shalt  }
0x6c: {  	_ =	shalt  }
0x6d: {  	_ =	shalt  }
0x6e: {  	_ =	shalt  }
0x6f: {  	_ =	shalt  }
0x70: {  	_ =	shalt  }
0x71: {  	_ =	shalt  }
0x72: {  	_ =	shalt  }
0x73: {  	_ =	shalt  }
0x74: {  	_ =	shalt  }
0x75: {  	_ =	shalt  }
0x76: {  	_ =	shalt  }
0x77: {  	_ =	shalt  }
0x78: {  	_ =	shalt  }
0x79: {  	_ =	shalt  }
0x7a: {  	_ =	shalt  }
0x7b: {  	_ =	shalt  }
0x7c: {  	_ =	shalt  }
0x7d: {  	_ =	shalt  }
0x7e: {  	_ =	shalt  }
0x7f: {  	_ =	shalt  }
0x80: {  	_ =	shalt  }
0x81: {  	_ =	shalt  }
0x82: {  	_ =	shalt  }
0x83: {  	_ =	shalt  }
0x84: {  	_ =	shalt  }
0x85: {  	_ =	shalt  }
0x86: {  	_ =	shalt  }
0x87: {  	_ =	shalt  }
.Lfunc_end0:
.L_simem_size_0:
called_computation.3_lowered:
.L_overlay_start_0:
0x88: {  	s2 =	sld [smem:$0x3FD9]  }
0x89: {  	s3 =	sld [smem:$0x3FFE];
	_ =	sdelay $0x1  }
0x8a: {  	s1 =	srdreg.scid  }
0x8b: {  	s0 =	sand.u32 $0x1, s1  }
0x8c: {  	s17 =	sshll.u32 s0, $0xA;
	s2 =	sadd.s32 s3, s2  }
0x8d: {  	s2 =	sadd.s32 s2, s17  }
0x8e: {  	[smem:$0x3FBA] =	sst s2  }
0x8f: {  	_ = 	snop  }
0x90: {  	s2 =	sld [smem:$0x3FD0];
	(tm) =	ssettm $0x1  }
0x91: {  	s18 =	sld [smem:$0x3FFB];
	_ =	sdelay $0x3  }
0x92: {  	_ =	strace s18  }
0x93: {  	s3 =	sld [smem:$0x3FFC];
	_ =	sdelay $0x3  }
0x94: {  	_ =	strace s3  }
0x95: {  	s3 =	sld [smem:$0x3FFD];
	_ =	sdelay $0x3  }
0x96: {  	_ =	strace s3  }
0x97: {  	_ =	strace $0x8FFFFFFF  }
0x98: {  	s19 =	sld [smem:$0x3FDB];
	_ =	sdelay $0x1  }
0x99: {  	s4 =	simm.s32 $_scs_section_size  }
0x9a: {  	s5 =	simm.s32 $_size__tile_overlayer_lowered;
	s6 =	simm.s32 $_tile_overlayer_lowered  }
0x9b: {  	s22 =	simm.s32 $0x1BFF;
	s21 =	sshll.u32 s6, $0x1;
	s3 =	sadd.s32 s4, s19  }
0x9c: {  	s7 =	simm.s32 $0x0;
	s20 =	sshll.u32 s5, $0x1;
	s5 =	sadd.s32 s21, s3  }
0x9d: {  	[timem:s7], [sflag:s22] =	dma.local [hbm:s5], s20  }
0x9e: {  	_ =	swait.ge [sflag:s22], s20  }
0x9f: {  	s4 =	ssub.s32 $0x0, s20;
	[sflag:s22] =	ssyncset.done $0x0  }
0xa0: {  	[sflag:s22] =	ssyncadd.s32 s4;
	_ =	sdelay $0x1  }
0xa1: {  	s23 =	simm.s32 $0x1B8B  }
0xa2: {  	_ =	swait.ge [sflag:s23], $0x1  }
0xa3: {  	[sflag:s23] =	ssyncset.done $0x0  }
0xa4: {  	s25 =	simm.s32 $0x1B8E;
	s24 =	sld [smem:$0x3FFE];
	[sflag:s23] =	ssyncadd.s32 $0xFFFFFFFF  }
0xa5: {  	s26 =	simm.s32 $execute0_lowered;
	[smem:$0x3FD2] =	sst s25  }
0xa6: {  	s5 =	sshll.u32 s26, $0x1;
	_ =	strace $0x8000004F;
	[dreg:$0x1] =	wrdreg $0xFFFFFFFF  }
0xa7: {  	s28 =	simm.s32 $_size_execute0_lowered;
	s3 =	sadd.s32 s3, s5;
	[dreg:$0x0] =	wrdreg $0x0  }
0xa8: {  	s5 =	sshll.u32 s28, $0x1;
	[dreg:$0x2] =	wrdreg s3  }
0xa9: {  	[dreg:$0x3] =	wrdreg s5  }
0xaa: {  	[dreg:$0x4] =	wrdreg $0xC0  }
0xab: {  	_ =	task [dreg:s7], $0x5FFFF  }
0xac: {  	[dreg:$0x1] =	wrdreg $0xFFFFFFFF  }
0xad: {  	[dreg:$0x0] =	wrdreg $0x60  }
0xae: {  	[dreg:$0x2] =	wrdreg s2  }
0xaf: {  	[dreg:$0x3] =	wrdreg s24  }
0xb0: {  	[dreg:$0x4] =	wrdreg $0x21000  }
0xb1: {  	[dreg:$0x5] =	wrdreg $0x9  }
0xb2: {  	_ =	task.clear_ibuf [dreg:s7], $0x6FFFF;
	_ =	strace $0x9000004F  }
0xb3: {  	s29 =	simm.s32 $0x9;
	_ =	strace $0x80000051  }
0xb4: {  	_ =	swait.ge [sflag:s29], $0x1  }
0xb5: {  	[sflag:s29] =	ssyncadd.s32 $0xFFFFFFFF  }
0xb6: {  	_ =	strace $0x90000051  }
0xb7: {  	_ =	sfence  }
0xb8: {  	s30 =	sld [smem:$0x0];
	_ =	sdelay $0x2  }
0xb9: {  	s31 =	sshll.u32 s1, $0xD;
	s1 =	sshrl.u32 s1, $0x2  }
0xba: {  	s3 =	sand.u32 $0x4000, s31;
	s1 =	sadd.s32 s1, s30  }
0xbb: {  	s0 =	sor.u32 s3, s0;
	s1 =	sshll.u32 s1, $0x11  }
0xbc: {  	s0 =	sor.u32 s1, s0  }
0xbd: {  	s0 =	sadd.s32 $0x8F2B, s0  }
0xbe: {  	[sflag:s0] =	ssyncadd.remote.s32 $0x1  }
0xbf: {  	_ =	sfence.sel $0xFFFF  }
0xc0: {  	[dreg:$0x0] =	wrdreg $0xFFFFFFFF;
	(pc) =	sbr.abs _section_cstart, $3  }
0xc1: {  	[dreg:$0x1] =	wrdreg $0xFFFFFFFF  }
0xc2: {  	_ =	task.clear_ibuf [dreg:s7], $0x2FFFF;
	_ =	strace $0x9FFFFFFF  }
0xc3: {  	(tm) =	ssettm $0x7FFFFFFF  }
tec
execute0_lowered:
.L_overlay_start_1:
0x0: {  	(tag) =	ssettag $0x1  }
0x1: {  	s1 =	rddreg [dreg:$0x0]  }
0x2: {  	s0 =	srdreg.scid;
	s7 =	rddreg [dreg:$0x1]  }
0x3: {  	s3 =	rddreg [dreg:$0x2];
	s6 =	sand.u32 $0x1, s0  }
0x4: {  	s14 =	simm.s32 $0x2;
	s0 =	stileid.u32;
	s2 =	smul.u32 $0xFFFF9C40, s6  }
0x5: {  	s15 =	simm.s32 $0x80;
	s16 =	simm.s32 $0x100;
	s4 =	smul.u32 $0x9C4, s0  }
0x6: {  	s17 =	simm.s32 $0x1;
	s18 =	simm.s32 $0x0;
	s8 =	smul.u32 $0xA000, s0  }
0x7: {  	s9 =	smul.u32 $0xA0000, s6;
	s10 =	sshll.u32 s6, $0x4;
	s6 =	ssub.s32 $0x2, s6  }
0x8: {  	s30 =	sshll.u32 s0, $0x6;
	s10 =	sor.u32 s0, s10;
	s29 =	sshrl.u32 s6, $0x1  }
0x9: {  	s5 =	sand.u32 $0xFFC0, s2;
	s2 =	rddreg [dreg:$0x3];
	s9 =	sadd.s32 s8, s9  }
0xa: {  	s10 =	smul.u32 $0x9C4, s10;
	s11 =	ssub.s32 s6, s29;
	s13 =	sadd.s32 s8, s3  }
0xb: {  	s6 =	sor.u32 $0x1C02, s30;
	s5 =	sadd.s32 s4, s5;
	s4 =	simm.s32 $0x0  }
0xc: {  	s9 =	sshrl.u32 s9, $0x3;
	s13 =	sshrl.u32 s13, $0x3;
	s5 =	sshrl.u32 s5, $0x1  }
.Ltmp0:
0xd: {  	[smem:$0x7FF] =	sst s4;
	s9 =	sadd.s32 s9, s7;
	(pc) =	sbr.rel .LBB2_1-.Ltmp0, $4  }
0xe: {  	s31 =	sadd.s32 $0x9C4, s10;
	s5 =	sand.u32 $0xFFF0, s5;
	_ =	strace $0x80000050  }
0xf: {  	s8 =	sshrl.u32 s31, $0x5;
	s9 =	sadd.s32 $0x18400, s9;
	s12 =	sadd.s32 s5, s7  }
0x10: {  	s5 =	sadd.s32 $0x17000, s7;
	s7 =	sshrl.u32 s10, $0x5;
	s10 =	smax.u32 s11, $0x1  }
0x11: {  	s11 =	sadd.s32 $0x3400, s12;
	s12 =	sadd.s32 $0xD200, s12;
	p0 =	sge.u32 s7, s8  }
.LBB2_4:
0x12: {  	[sflag:s14] =	ssyncadd.s32 $0xFFFFE000  }
.LBB2_5:
0x13: {  	s18 =	sadd.s32 $0x1, s18  }
0x14: {  	p1 =	sne.s32 s18, s10  }
.Ltmp1:
0x15: {  	[bflag:$0x0] =	sbarrier.arrive $0xFFFF;
	(pc) =	sbr.rel @!p1 .LBB2_6-.Ltmp1, $4  }
0x16: {  	[hbm:s9], [sflag:s6] =	dma.local [spmem:s13], $0x1400  }
0x17: {  	_ =	swait.ge [sflag:s14], $0x1400  }
0x18: {  	[sflag:s14] =	ssyncset.done $0x0  }
0x19: {  	[sflag:s14] =	ssyncadd.s32 $0xFFFFEC00  }
.LBB2_1:
0x1a: {  	[spmem:s13], [sflag:s6] =	dma.local [hbm:s5], $0x1400  }
.Ltmp2:
0x1b: {  	_ =	swait.ge [sflag:s14], $0x1400;
	(pc) =	sbr.rel @p0 .LBB2_5-.Ltmp2, $3  }
0x1c: {  	[sflag:s14] =	ssyncset.done $0x0  }
0x1d: {  	[sflag:s14] =	ssyncadd.s32 $0xFFFFEC00  }
0x1e: {  	[bflag:$0x0] =	sbarrier.arrive $0xFFFF;
	_ =	sdelay $0x1  }
0x1f: {  	[tilespmem:s4], [sflag:$0x2] =	stream.linear.gather [hbm4b:s12+s4], $0x80, $0x38;
	[tilespmem:$0xC100] =	vst v63  }
0x20: {  	_ =	swait.ge [sflag:s14], $0x80  }
0x21: {  	[sflag:s14] =	ssyncset.done $0x0  }
0x22: {  	[sflag:s14] =	ssyncadd.s32 $0xFFFFFF80  }
0x23: {  	[tilespmem:s15], [sflag:$0x2] =	stream.linear.gather [hbm4b:s11+s4], $0x80, $0x38;
	[tilespmem:$0xC100] =	vst v63  }
0x24: {  	_ =	swait.ge [sflag:s14], $0x80  }
0x25: {  	[sflag:s14] =	ssyncset.done $0x0  }
0x26: {  	s19 =	sadd.s32 $0x1, s7;
	[sflag:s14] =	ssyncadd.s32 $0xFFFFFF80  }
0x27: {  	[tilespmem:s16], [sflag:$0x1] =	stream.indirect.gather [hbm4b:s1+s15], $0x40, s4, s15, $0xb8;
	[tilespmem:$0xC100] =	vst v63  }
0x28: {  	p1 =	slt.u32 s19, s8;
	_ =	swait.ge [sflag:s17], $0x2000  }
.Ltmp3:
0x29: {  	[sflag:s17] =	ssyncset.done $0x0;
	(pc) =	sbr.rel @!p1 .LBB2_4-.Ltmp3, $4  }
0x2a: {  	[sflag:s17] =	ssyncadd.s32 $0xFFFFE000  }
0x2b: {  	[spmem:s3] =	stream.indirect.scatter.add.f32 [tilespmem:s16], [sflag:$0x2], $0x40, s15, s15, $0xb8;
	[tilespmem:$0xC100] =	vst v63  }
0x2c: {  	_ =	swait.ge [sflag:s14], $0x2000  }
0x2d: {  	s20 =	sadd.s32 $0x10, s12;
	s21 =	smov.u32 s11;
	[sflag:s14] =	ssyncset.done $0x0  }
.LBB2_3:
0x2e: {  	s19 =	sadd.s32 $0x1, s19;
	[sflag:s14] =	ssyncadd.s32 $0xFFFFE000;
	s21 =	sadd.s32 $0x10, s21  }
0x2f: {  	[tilespmem:s4], [sflag:$0x2] =	stream.linear.gather [hbm4b:s20+s4], $0x80, $0x38;
	[tilespmem:$0xC100] =	vst v63  }
0x30: {  	p1 =	slt.u32 s19, s8;
	_ =	swait.ge [sflag:s14], $0x80  }
0x31: {  	[sflag:s14] =	ssyncset.done $0x0  }
0x32: {  	[sflag:s14] =	ssyncadd.s32 $0xFFFFFF80  }
0x33: {  	[tilespmem:s15], [sflag:$0x2] =	stream.linear.gather [hbm4b:s21+s4], $0x80, $0x38;
	[tilespmem:$0xC100] =	vst v63  }
0x34: {  	_ =	swait.ge [sflag:s14], $0x80  }
0x35: {  	[sflag:s14] =	ssyncset.done $0x0  }
0x36: {  	[sflag:s14] =	ssyncadd.s32 $0xFFFFFF80  }
0x37: {  	[tilespmem:s16], [sflag:$0x1] =	stream.indirect.gather [hbm4b:s1+s15], $0x40, s4, s15, $0xb8;
	[tilespmem:$0xC100] =	vst v63  }
0x38: {  	_ =	swait.ge [sflag:s17], $0x2000  }
.Ltmp4:
0x39: {  	[sflag:s17] =	ssyncset.done $0x0;
	(pc) =	sbr.rel @p1 .LBB2_3-.Ltmp4, $4  }
0x3a: {  	[sflag:s17] =	ssyncadd.s32 $0xFFFFE000  }
0x3b: {  	[spmem:s3] =	stream.indirect.scatter.add.f32 [tilespmem:s16], [sflag:$0x2], $0x40, s15, s15, $0xb8;
	[tilespmem:$0xC100] =	vst v63  }
0x3c: {  	_ =	swait.ge [sflag:s14], $0x2000  }
0x3d: {  	s20 =	sadd.s32 $0x10, s20;
	[sflag:s14] =	ssyncset.done $0x0  }
.Ltmp5:
0x3e: {  	_ = 	snop;
	(pc) =	sbr.rel .LBB2_4-.Ltmp5, $1  }
0x3f: {  	_ =	sdelay $0x3  }
.LBB2_6:
0x40: {  	_ =	sfence.sel $0x180000  }
0x41: {  	[bflag:$0x0] =	sbarrier.arrive $0xFFFF  }
0x42: {  	p0 =	sne.s32 s0, $0x0;
	_ =	strace $0x90000050  }
0x43: {  	s0 =	sadd.s32 @!p0 $0x100000, s2;
	[bflag:$0x2] =	sbarrier.arrive $0xFFFF  }
0x44: {  	[sflag:s0] =	ssyncadd.tile.s32 @!p0 $0x1;
	_ =	shalt  }
.Lfunc_end2:
_tile_overlayer_lowered:
.L_overlay_start_2:
0x45: {  	(tag) =	ssettag $0x2  }
0x46: {  	s0 =	rddreg [dreg:$0x0];
	s2 =	stileid.u32  }
0x47: {  	s1 =	rddreg [dreg:$0x1];
	p0 =	sne.s32 s2, $0x0  }
0x48: {  	s3 =	rddreg [dreg:$0x2];
	[bflag:$0x3] =	sbarrier.arrive $0xFFFF;
	s2 =	simm.s32 @!p0 $0x1C02  }
0x49: {  	[timem:s3], [sflag:s2] =	dma.local @!p0 [hbm:s0], s1  }
0x4a: {  	s0 =	simm.s32 @!p0 $0x2  }
0x4b: {  	_ =	swait.ge @!p0 [sflag:s0], s1  }
0x4c: {  	s1 =	ssub.s32 @!p0 $0x0, s1;
	[sflag:s0] =	ssyncset.done @!p0 $0x0  }
0x4d: {  	[sflag:s0] =	ssyncadd.s32 @!p0 s1  }
0x4e: {  	[bflag:$0x3] =	sbarrier.arrive $0xFFFF  }
0x4f: {  	_ =	shalt  }

</sc_bundles>
